<compile_context>
chip_gen: v7x
topology: tpu7x:2x2x1
jax: 0.10.2.dev20260603
libtpu: 0.0.44.dev20260713+nightly
codegen_flags: <defaults>
</compile_context>

<pallas_src>
import functools

import jax
import jax.numpy as jnp
from jax import lax
from jax.experimental import pallas as pl
from jax.experimental.pallas import tpu as pltpu
from jax.experimental.pallas import tpu_sc as plsc

NATOMS = 100000
NSTRUCT = 1024
NTAB = 119
NW = 32
CHUNK = 3136
NG = CHUNK // 16
LAST_BASE = NATOMS - CHUNK
OVL = 31 * CHUNK - LAST_BASE
OVL_GROUPS = OVL // 16


def _sc_body(f_hbm, z_hbm, b_hbm, off_hbm, scl_hbm,
             fout_hbm, part_hbm,
             tab_off, tab_scl, zc, bc, fc, fo,
             priv_mu, priv_s2, fin_mu, fin_s2, sem):
    w = lax.axis_index("s") * 2 + lax.axis_index("c")
    base = jnp.where(w < 31, w * CHUNK, LAST_BASE)

    hs = [
        pltpu.async_copy(off_hbm, tab_off.at[pl.ds(0, NTAB)], sem),
        pltpu.async_copy(scl_hbm, tab_scl.at[pl.ds(0, NTAB)], sem),
        pltpu.async_copy(z_hbm.at[pl.ds(base, CHUNK)], zc, sem),
        pltpu.async_copy(b_hbm.at[pl.ds(base, CHUNK)], bc, sem),
    ]
    for c in range(3):
        hs.append(pltpu.async_copy(f_hbm.at[pl.ds(c * NATOMS + base, CHUNK)],
                                   fc.at[pl.ds(c * CHUNK, CHUNK)], sem))

    iota = lax.broadcasted_iota(jnp.int32, (16,), 0)
    lane_off = iota * NSTRUCT
    zeros = jnp.zeros((16,), jnp.float32)

    @plsc.parallel_loop(0, NSTRUCT // 16, 1, unroll=4)
    def zero_fin(i):
        fin_mu[pl.ds(i * 16, 16)] = zeros
        fin_s2[pl.ds(i * 16, 16)] = zeros

    for h in hs:
        h.wait()

    bmin = jnp.min(bc[pl.ds(0, 16)])
    bmax = jnp.max(bc[pl.ds(CHUNK - 16, 16)])
    g0 = bmin // 16
    ngw = bmax // 16 - g0 + 1

    @plsc.parallel_loop(0, ngw, 1, unroll=2)
    def zero_priv(i):
        off = (g0 + i) * 16
        for l in range(16):
            priv_mu[pl.ds(l * NSTRUCT + off, 16)] = zeros
            priv_s2[pl.ds(l * NSTRUCT + off, 16)] = zeros

    acc_always = w < 31

    @plsc.parallel_loop(0, NG, 1, unroll=4)
    def grp(g):
        a0 = g * 16
        z = zc[pl.ds(a0, 16)]
        mu = plsc.load_gather(tab_off, [z])
        sg = plsc.load_gather(tab_scl, [z])
        b = bc[pl.ds(a0, 16)]
        ok = jnp.broadcast_to(
            jnp.logical_or(acc_always, g >= OVL_GROUPS), (16,))
        idx = lane_off + b
        plsc.addupdate_scatter(priv_mu, [idx], mu, mask=ok)
        plsc.addupdate_scatter(priv_s2, [idx], sg * sg, mask=ok)
        inv = 1.0 / sg
        for k in range(3):
            fv = fc[pl.ds(k * CHUNK + a0, 16)]
            fo[pl.ds(k * CHUNK + a0, 16)] = fv * inv

    @plsc.parallel_loop(0, ngw, 1, unroll=2)
    def red(i):
        off = (g0 + i) * 16
        s_mu = priv_mu[pl.ds(off, 16)]
        s_s2 = priv_s2[pl.ds(off, 16)]
        for l in range(1, 16):
            s_mu = s_mu + priv_mu[pl.ds(l * NSTRUCT + off, 16)]
            s_s2 = s_s2 + priv_s2[pl.ds(l * NSTRUCT + off, 16)]
        fin_mu[pl.ds(off, 16)] = s_mu
        fin_s2[pl.ds(off, 16)] = s_s2

    ws = [pltpu.async_copy(fin_mu, part_hbm.at[w], sem),
          pltpu.async_copy(fin_s2, part_hbm.at[NW + w], sem)]

    @pl.when(w < 31)
    def _():
        hs2 = []
        for c in range(3):
            hs2.append(pltpu.async_copy(
                fo.at[pl.ds(c * CHUNK, CHUNK)],
                fout_hbm.at[pl.ds(c * NATOMS + base, CHUNK)], sem))
        for h in hs2:
            h.wait()

    @pl.when(w == 31)
    def _():
        hs2 = []
        for c in range(3):
            hs2.append(pltpu.async_copy(
                fo.at[pl.ds(c * CHUNK + OVL, CHUNK - OVL)],
                fout_hbm.at[pl.ds(c * NATOMS + LAST_BASE + OVL, CHUNK - OVL)],
                sem))
        for h in hs2:
            h.wait()

    for h in ws:
        h.wait()


_sc_call = functools.partial(
    pl.kernel,
    mesh=plsc.VectorSubcoreMesh(core_axis_name="c", subcore_axis_name="s"),
    out_type=[
        jax.ShapeDtypeStruct((NATOMS * 3,), jnp.float32),
        jax.ShapeDtypeStruct((2 * NW, NSTRUCT), jnp.float32),
    ],
    scratch_types=[
        pltpu.VMEM((128,), jnp.float32),
        pltpu.VMEM((128,), jnp.float32),
        pltpu.VMEM((CHUNK,), jnp.int32),
        pltpu.VMEM((CHUNK,), jnp.int32),
        pltpu.VMEM((CHUNK * 3,), jnp.float32),
        pltpu.VMEM((CHUNK * 3,), jnp.float32),
        pltpu.VMEM((16 * NSTRUCT,), jnp.float32),
        pltpu.VMEM((16 * NSTRUCT,), jnp.float32),
        pltpu.VMEM((NSTRUCT,), jnp.float32),
        pltpu.VMEM((NSTRUCT,), jnp.float32),
        pltpu.SemaphoreType.DMA,
    ],
    compiler_params=pltpu.CompilerParams(needs_layout_passes=False),
)(_sc_body)


def _tc_body(e_ref, part_ref, o_ref):
    mu = jnp.sum(part_ref[: NW], axis=0)
    s2 = jnp.sum(part_ref[NW:], axis=0)
    o_ref[...] = (e_ref[...] - mu) / jnp.sqrt(s2)


def kernel(total_energy, forces, energy_offset, energy_scale, Z, batch):
    Z = Z.astype(jnp.int32)
    batch = batch.astype(jnp.int32)
    f_cm = forces.T.reshape(-1)

    fstd_cm, part = _sc_call(f_cm, Z, batch,
                             energy_offset.astype(jnp.float32),
                             energy_scale.astype(jnp.float32))

    e_std = pl.pallas_call(
        _tc_body,
        out_shape=jax.ShapeDtypeStruct((NSTRUCT,), jnp.float32),
    )(total_energy, part)

    return (e_std, fstd_cm.reshape(3, NATOMS).T)

# --- scband reference (transcript-rebuilt; emitter-appended) ---
"""Pipeline reference for scband-standardizer-4002909520405 (READ-ONLY COPY).

The authoritative reference and input builder live on the scoring server;
editing this copy changes nothing except your own understanding.
"""

import jax, jax.numpy as jnp
import numpy as np

MAX_Z = 118
NUM_STRUCTURES = 1024
N_ATOMS = 100000


def setup_inputs(seed: int = 0) -> dict:
    key = jax.random.key(seed)
    k1, k2, k3, k4, k5, k6 = jax.random.split(key, 6)
    total_energy = jax.random.normal(k1, (NUM_STRUCTURES,), dtype=jnp.float32)
    forces = jax.random.normal(k2, (N_ATOMS, 3), dtype=jnp.float32)
    Z = jax.random.randint(k3, (N_ATOMS,), 0, MAX_Z + 1)
    batch = jnp.sort(jax.random.randint(k4, (N_ATOMS,), 0, NUM_STRUCTURES))
    # learned/fitted parameters of the Standardizer (shared_energy_scale=False)
    energy_offset = jax.random.normal(k5, (MAX_Z + 1,), dtype=jnp.float32) * 0.1
    energy_scale = jnp.abs(jax.random.normal(k6, (MAX_Z + 1,), dtype=jnp.float32)) + 0.5
    return {
        "total_energy": total_energy,
        "forces": forces,
        "energy_offset": energy_offset,
        "energy_scale": energy_scale,
        "Z": Z,
        "batch": batch,
    }


def reference(total_energy, forces, energy_offset, energy_scale, Z, batch):
    # Standardizer.standardize with shared_energy_scale=False
    means = jnp.take(energy_offset, Z, axis=0)          # gather per-atom offsets
    sigmas = jnp.take(energy_scale, Z, axis=0)          # gather per-atom scales
    # sum_per_structure -> segment sum over structure ids
    total_mean = jax.ops.segment_sum(means, batch, num_segments=NUM_STRUCTURES)
    total_sigma = jnp.sqrt(
        jax.ops.segment_sum(jnp.square(sigmas), batch, num_segments=NUM_STRUCTURES)
    )
    e_std = (total_energy - total_mean) / total_sigma
    f_std = forces / sigmas[:, None]
    return (e_std, f_std)

if __name__ == "__main__":
    import jax
    _d = setup_inputs()
    print(jax.jit(kernel)(*tuple(_d.values())))

</pallas_src>

<mosaic_0001>
#map = affine_map<(d0, d1) -> (0)>
#map1 = affine_map<(d0, d1) -> (0, 0)>
module attributes {stable_mosaic.version = 14 : i64} {
  func.func @_sc_body(%arg0: i32, %arg1: i32, %arg2: memref<300000xf32, #tpu.memory_space<hbm>>, %arg3: memref<100000xi32, #tpu.memory_space<hbm>>, %arg4: memref<100000xi32, #tpu.memory_space<hbm>>, %arg5: memref<119xf32, #tpu.memory_space<hbm>>, %arg6: memref<119xf32, #tpu.memory_space<hbm>>, %arg7: memref<300000xf32, #tpu.memory_space<hbm>>, %arg8: memref<64x1024xf32, #tpu.memory_space<hbm>>, %arg9: memref<128xf32, #tpu.memory_space<vmem>>, %arg10: memref<128xf32, #tpu.memory_space<vmem>>, %arg11: memref<3136xi32, #tpu.memory_space<vmem>>, %arg12: memref<3136xi32, #tpu.memory_space<vmem>>, %arg13: memref<9408xf32, #tpu.memory_space<vmem>>, %arg14: memref<9408xf32, #tpu.memory_space<vmem>>, %arg15: memref<16384xf32, #tpu.memory_space<vmem>>, %arg16: memref<16384xf32, #tpu.memory_space<vmem>>, %arg17: memref<1024xf32, #tpu.memory_space<vmem>>, %arg18: memref<1024xf32, #tpu.memory_space<vmem>>, %arg19: memref<!tpu.dma_semaphore, #tpu.memory_space<semaphore_mem>>) attributes {dimension_semantics = [#tpu.dimension_semantics<core_parallel>, #tpu.dimension_semantics<subcore_parallel>], iteration_bounds = array<i64: 2, 16>, scalar_prefetch = 0 : i64, scratch_operands = 11 : i64, tpu.core_type = #tpu.core_type<sc_vector_subcore>, window_params = [{transform_indices = #map}, {transform_indices = #map}, {transform_indices = #map}, {transform_indices = #map}, {transform_indices = #map}, {transform_indices = #map}, {transform_indices = #map1}]} {
    %mul3A = arith.constant 2 : i32
    %mul3A_0 = arith.muli %arg1, %mul3A : i32
    %add3A = arith.addi %mul3A_0, %arg0 : i32
    %lt3A = arith.constant 31 : i32
    %lt3A_1 = arith.cmpi slt, %add3A, %lt3A : i32
    %mul3A_2 = arith.constant 3136 : i32
    %mul3A_3 = arith.muli %add3A, %mul3A_2 : i32
    %jit3A = arith.constant 96864 : i32
    %select_n3A = arith.select %lt3A_1, %mul3A_3, %jit3A : i32
    %dma_start3A = arith.constant 0 : i32
    %dma_start3A_4 = tpu.memref_slice %arg9[%dma_start3A] : memref<128xf32, #tpu.memory_space<vmem>> -> memref<119xf32, #tpu.memory_space<vmem>>
    %dma_start3A_5 = arith.constant 0 : i32
    %dma_start3A_6 = tpu.memref_slice %arg9[%dma_start3A_5] : memref<128xf32, #tpu.memory_space<vmem>> -> memref<119xf32, #tpu.memory_space<vmem>>
    tpu.enqueue_dma source(%arg5 : memref<119xf32, #tpu.memory_space<hbm>>) target(%dma_start3A_6 : memref<119xf32, #tpu.memory_space<vmem>>) target_semaphore(%arg19 : memref<!tpu.dma_semaphore, #tpu.memory_space<semaphore_mem>>)
    %dma_start3A_7 = arith.constant 0 : i32
    %dma_start3A_8 = tpu.memref_slice %arg10[%dma_start3A_7] : memref<128xf32, #tpu.memory_space<vmem>> -> memref<119xf32, #tpu.memory_space<vmem>>
    %dma_start3A_9 = arith.constant 0 : i32
    %dma_start3A_10 = tpu.memref_slice %arg10[%dma_start3A_9] : memref<128xf32, #tpu.memory_space<vmem>> -> memref<119xf32, #tpu.memory_space<vmem>>
    tpu.enqueue_dma source(%arg6 : memref<119xf32, #tpu.memory_space<hbm>>) target(%dma_start3A_10 : memref<119xf32, #tpu.memory_space<vmem>>) target_semaphore(%arg19 : memref<!tpu.dma_semaphore, #tpu.memory_space<semaphore_mem>>)
    %dma_start3A_11 = tpu.memref_slice %arg3[%select_n3A] : memref<100000xi32, #tpu.memory_space<hbm>> -> memref<3136xi32, #tpu.memory_space<hbm>>
    %dma_start3A_12 = tpu.memref_slice %arg3[%select_n3A] : memref<100000xi32, #tpu.memory_space<hbm>> -> memref<3136xi32, #tpu.memory_space<hbm>>
    tpu.enqueue_dma source(%dma_start3A_12 : memref<3136xi32, #tpu.memory_space<hbm>>) target(%arg11 : memref<3136xi32, #tpu.memory_space<vmem>>) target_semaphore(%arg19 : memref<!tpu.dma_semaphore, #tpu.memory_space<semaphore_mem>>)
    %dma_start3A_13 = tpu.memref_slice %arg4[%select_n3A] : memref<100000xi32, #tpu.memory_space<hbm>> -> memref<3136xi32, #tpu.memory_space<hbm>>
    %dma_start3A_14 = tpu.memref_slice %arg4[%select_n3A] : memref<100000xi32, #tpu.memory_space<hbm>> -> memref<3136xi32, #tpu.memory_space<hbm>>
    tpu.enqueue_dma source(%dma_start3A_14 : memref<3136xi32, #tpu.memory_space<hbm>>) target(%arg12 : memref<3136xi32, #tpu.memory_space<vmem>>) target_semaphore(%arg19 : memref<!tpu.dma_semaphore, #tpu.memory_space<semaphore_mem>>)
    %add3A_15 = arith.constant 0 : i32
    %add3A_16 = arith.addi %add3A_15, %select_n3A : i32
    %dma_start3A_17 = arith.constant 0 : i32
    %dma_start3A_18 = tpu.memref_slice %arg13[%dma_start3A_17] : memref<9408xf32, #tpu.memory_space<vmem>> -> memref<3136xf32, #tpu.memory_space<vmem>>
    %dma_start3A_19 = tpu.memref_slice %arg2[%add3A_16] : memref<300000xf32, #tpu.memory_space<hbm>> -> memref<3136xf32, #tpu.memory_space<hbm>>
    %dma_start3A_20 = arith.constant 0 : i32
    %dma_start3A_21 = tpu.memref_slice %arg13[%dma_start3A_20] : memref<9408xf32, #tpu.memory_space<vmem>> -> memref<3136xf32, #tpu.memory_space<vmem>>
    %dma_start3A_22 = tpu.memref_slice %arg2[%add3A_16] : memref<300000xf32, #tpu.memory_space<hbm>> -> memref<3136xf32, #tpu.memory_space<hbm>>
    tpu.enqueue_dma source(%dma_start3A_22 : memref<3136xf32, #tpu.memory_space<hbm>>) target(%dma_start3A_21 : memref<3136xf32, #tpu.memory_space<vmem>>) target_semaphore(%arg19 : memref<!tpu.dma_semaphore, #tpu.memory_space<semaphore_mem>>)
    %add3A_23 = arith.constant 100000 : i32
    %add3A_24 = arith.addi %add3A_23, %select_n3A : i32
    %dma_start3A_25 = arith.constant 3136 : i32
    %dma_start3A_26 = tpu.memref_slice %arg13[%dma_start3A_25] : memref<9408xf32, #tpu.memory_space<vmem>> -> memref<3136xf32, #tpu.memory_space<vmem>>
    %dma_start3A_27 = tpu.memref_slice %arg2[%add3A_24] : memref<300000xf32, #tpu.memory_space<hbm>> -> memref<3136xf32, #tpu.memory_space<hbm>>
    %dma_start3A_28 = arith.constant 3136 : i32
    %dma_start3A_29 = tpu.memref_slice %arg13[%dma_start3A_28] : memref<9408xf32, #tpu.memory_space<vmem>> -> memref<3136xf32, #tpu.memory_space<vmem>>
    %dma_start3A_30 = tpu.memref_slice %arg2[%add3A_24] : memref<300000xf32, #tpu.memory_space<hbm>> -> memref<3136xf32, #tpu.memory_space<hbm>>
    tpu.enqueue_dma source(%dma_start3A_30 : memref<3136xf32, #tpu.memory_space<hbm>>) target(%dma_start3A_29 : memref<3136xf32, #tpu.memory_space<vmem>>) target_semaphore(%arg19 : memref<!tpu.dma_semaphore, #tpu.memory_space<semaphore_mem>>)
    %add3A_31 = arith.constant 200000 : i32
    %add3A_32 = arith.addi %add3A_31, %select_n3A : i32
    %dma_start3A_33 = arith.constant 6272 : i32
    %dma_start3A_34 = tpu.memref_slice %arg13[%dma_start3A_33] : memref<9408xf32, #tpu.memory_space<vmem>> -> memref<3136xf32, #tpu.memory_space<vmem>>
    %dma_start3A_35 = tpu.memref_slice %arg2[%add3A_32] : memref<300000xf32, #tpu.memory_space<hbm>> -> memref<3136xf32, #tpu.memory_space<hbm>>
    %dma_start3A_36 = arith.constant 6272 : i32
    %dma_start3A_37 = tpu.memref_slice %arg13[%dma_start3A_36] : memref<9408xf32, #tpu.memory_space<vmem>> -> memref<3136xf32, #tpu.memory_space<vmem>>
    %dma_start3A_38 = tpu.memref_slice %arg2[%add3A_32] : memref<300000xf32, #tpu.memory_space<hbm>> -> memref<3136xf32, #tpu.memory_space<hbm>>
    tpu.enqueue_dma source(%dma_start3A_38 : memref<3136xf32, #tpu.memory_space<hbm>>) target(%dma_start3A_37 : memref<3136xf32, #tpu.memory_space<vmem>>) target_semaphore(%arg19 : memref<!tpu.dma_semaphore, #tpu.memory_space<semaphore_mem>>)
    %iota3A = tpu.iota {dimensions = array<i32: 0>} : vector<16xi32>
    %mul3A_39 = arith.constant 1024 : i32
    %mul3A_40 = vector.broadcast %mul3A_39 : i32 to vector<16xi32>
    %mul3A_41 = arith.muli %iota3A, %mul3A_40 : vector<16xi32>
    %broadcast_in_dim3A = arith.constant 0.000000e+00 : f32
    %broadcast_in_dim3A_42 = vector.broadcast %broadcast_in_dim3A : f32 to vector<16xf32>
    %parallel_loop3A = arith.constant 0 : i32
    %parallel_loop3A_43 = arith.constant 64 : i32
    %parallel_loop3A_44 = arith.constant 1 : i32
    scf.for %parallel_loop3A_178 = %parallel_loop3A to %parallel_loop3A_43 step %parallel_loop3A_44  : i32 {
      %parallel_loop3A_179 = arith.constant 16 : i32
      %parallel_loop3A_180 = arith.muli %parallel_loop3A_178, %parallel_loop3A_179 : i32
      %parallel_loop3A_181 = arith.index_cast %parallel_loop3A_180 : i32 to index
      %parallel_loop3A_182 = tpu.vector_load %arg17[%parallel_loop3A_181] {strides = array<i32>} : memref<1024xf32, #tpu.memory_space<vmem>>, vector<16xf32>,
      tpu.vector_store %arg17[%parallel_loop3A_181], %broadcast_in_dim3A_42 {strides = array<i32>} : memref<1024xf32, #tpu.memory_space<vmem>>, vector<16xf32>,
      %parallel_loop3A_183 = arith.constant 16 : i32
      %parallel_loop3A_184 = arith.muli %parallel_loop3A_178, %parallel_loop3A_183 : i32
      %parallel_loop3A_185 = arith.index_cast %parallel_loop3A_184 : i32 to index
      %parallel_loop3A_186 = tpu.vector_load %arg18[%parallel_loop3A_185] {strides = array<i32>} : memref<1024xf32, #tpu.memory_space<vmem>>, vector<16xf32>,
      tpu.vector_store %arg18[%parallel_loop3A_185], %broadcast_in_dim3A_42 {strides = array<i32>} : memref<1024xf32, #tpu.memory_space<vmem>>, vector<16xf32>,
    } {sc.loop_unroll_factor = 4 : i64, sc.parallel_access}
    %dma_wait3A = arith.constant 0 : i32
    %dma_wait3A_45 = tpu.memref_slice %arg9[%dma_wait3A] : memref<128xf32, #tpu.memory_space<vmem>> -> memref<119xf32, #tpu.memory_space<vmem>>
    %dma_wait3A_46 = arith.constant 0 : i32
    %dma_wait3A_47 = tpu.memref_slice %arg9[%dma_wait3A_46] : memref<128xf32, #tpu.memory_space<vmem>> -> memref<119xf32, #tpu.memory_space<vmem>>
    tpu.wait_dma2 semaphore(%arg19 : memref<!tpu.dma_semaphore, #tpu.memory_space<semaphore_mem>>) src(%arg5 : memref<119xf32, #tpu.memory_space<hbm>>) dst(%dma_wait3A_47 : memref<119xf32, #tpu.memory_space<vmem>>)
    %dma_wait3A_48 = arith.constant 0 : i32
    %dma_wait3A_49 = tpu.memref_slice %arg10[%dma_wait3A_48] : memref<128xf32, #tpu.memory_space<vmem>> -> memref<119xf32, #tpu.memory_space<vmem>>
    %dma_wait3A_50 = arith.constant 0 : i32
    %dma_wait3A_51 = tpu.memref_slice %arg10[%dma_wait3A_50] : memref<128xf32, #tpu.memory_space<vmem>> -> memref<119xf32, #tpu.memory_space<vmem>>
    tpu.wait_dma2 semaphore(%arg19 : memref<!tpu.dma_semaphore, #tpu.memory_space<semaphore_mem>>) src(%arg6 : memref<119xf32, #tpu.memory_space<hbm>>) dst(%dma_wait3A_51 : memref<119xf32, #tpu.memory_space<vmem>>)
    %dma_wait3A_52 = tpu.memref_slice %arg3[%select_n3A] : memref<100000xi32, #tpu.memory_space<hbm>> -> memref<3136xi32, #tpu.memory_space<hbm>>
    %dma_wait3A_53 = tpu.memref_slice %arg3[%select_n3A] : memref<100000xi32, #tpu.memory_space<hbm>> -> memref<3136xi32, #tpu.memory_space<hbm>>
    tpu.wait_dma2 semaphore(%arg19 : memref<!tpu.dma_semaphore, #tpu.memory_space<semaphore_mem>>) src(%dma_wait3A_53 : memref<3136xi32, #tpu.memory_space<hbm>>) dst(%arg11 : memref<3136xi32, #tpu.memory_space<vmem>>)
    %dma_wait3A_54 = tpu.memref_slice %arg4[%select_n3A] : memref<100000xi32, #tpu.memory_space<hbm>> -> memref<3136xi32, #tpu.memory_space<hbm>>
    %dma_wait3A_55 = tpu.memref_slice %arg4[%select_n3A] : memref<100000xi32, #tpu.memory_space<hbm>> -> memref<3136xi32, #tpu.memory_space<hbm>>
    tpu.wait_dma2 semaphore(%arg19 : memref<!tpu.dma_semaphore, #tpu.memory_space<semaphore_mem>>) src(%dma_wait3A_55 : memref<3136xi32, #tpu.memory_space<hbm>>) dst(%arg12 : memref<3136xi32, #tpu.memory_space<vmem>>)
    %dma_wait3A_56 = arith.constant 0 : i32
    %dma_wait3A_57 = tpu.memref_slice %arg13[%dma_wait3A_56] : memref<9408xf32, #tpu.memory_space<vmem>> -> memref<3136xf32, #tpu.memory_space<vmem>>
    %dma_wait3A_58 = tpu.memref_slice %arg2[%add3A_16] : memref<300000xf32, #tpu.memory_space<hbm>> -> memref<3136xf32, #tpu.memory_space<hbm>>
    %dma_wait3A_59 = arith.constant 0 : i32
    %dma_wait3A_60 = tpu.memref_slice %arg13[%dma_wait3A_59] : memref<9408xf32, #tpu.memory_space<vmem>> -> memref<3136xf32, #tpu.memory_space<vmem>>
    %dma_wait3A_61 = tpu.memref_slice %arg2[%add3A_16] : memref<300000xf32, #tpu.memory_space<hbm>> -> memref<3136xf32, #tpu.memory_space<hbm>>
    tpu.wait_dma2 semaphore(%arg19 : memref<!tpu.dma_semaphore, #tpu.memory_space<semaphore_mem>>) src(%dma_wait3A_61 : memref<3136xf32, #tpu.memory_space<hbm>>) dst(%dma_wait3A_60 : memref<3136xf32, #tpu.memory_space<vmem>>)
    %dma_wait3A_62 = arith.constant 3136 : i32
    %dma_wait3A_63 = tpu.memref_slice %arg13[%dma_wait3A_62] : memref<9408xf32, #tpu.memory_space<vmem>> -> memref<3136xf32, #tpu.memory_space<vmem>>
    %dma_wait3A_64 = tpu.memref_slice %arg2[%add3A_24] : memref<300000xf32, #tpu.memory_space<hbm>> -> memref<3136xf32, #tpu.memory_space<hbm>>
    %dma_wait3A_65 = arith.constant 3136 : i32
    %dma_wait3A_66 = tpu.memref_slice %arg13[%dma_wait3A_65] : memref<9408xf32, #tpu.memory_space<vmem>> -> memref<3136xf32, #tpu.memory_space<vmem>>
    %dma_wait3A_67 = tpu.memref_slice %arg2[%add3A_24] : memref<300000xf32, #tpu.memory_space<hbm>> -> memref<3136xf32, #tpu.memory_space<hbm>>
    tpu.wait_dma2 semaphore(%arg19 : memref<!tpu.dma_semaphore, #tpu.memory_space<semaphore_mem>>) src(%dma_wait3A_67 : memref<3136xf32, #tpu.memory_space<hbm>>) dst(%dma_wait3A_66 : memref<3136xf32, #tpu.memory_space<vmem>>)
    %dma_wait3A_68 = arith.constant 6272 : i32
    %dma_wait3A_69 = tpu.memref_slice %arg13[%dma_wait3A_68] : memref<9408xf32, #tpu.memory_space<vmem>> -> memref<3136xf32, #tpu.memory_space<vmem>>
    %dma_wait3A_70 = tpu.memref_slice %arg2[%add3A_32] : memref<300000xf32, #tpu.memory_space<hbm>> -> memref<3136xf32, #tpu.memory_space<hbm>>
    %dma_wait3A_71 = arith.constant 6272 : i32
    %dma_wait3A_72 = tpu.memref_slice %arg13[%dma_wait3A_71] : memref<9408xf32, #tpu.memory_space<vmem>> -> memref<3136xf32, #tpu.memory_space<vmem>>
    %dma_wait3A_73 = tpu.memref_slice %arg2[%add3A_32] : memref<300000xf32, #tpu.memory_space<hbm>> -> memref<3136xf32, #tpu.memory_space<hbm>>
    tpu.wait_dma2 semaphore(%arg19 : memref<!tpu.dma_semaphore, #tpu.memory_space<semaphore_mem>>) src(%dma_wait3A_73 : memref<3136xf32, #tpu.memory_space<hbm>>) dst(%dma_wait3A_72 : memref<3136xf32, #tpu.memory_space<vmem>>)
    %get3A = arith.constant 0 : index
    %get3A_74 = tpu.vector_load %arg12[%get3A] {strides = array<i32>} : memref<3136xi32, #tpu.memory_space<vmem>>, vector<16xi32>,
    %reduce_min3A = arith.constant true
    %reduce_min3A_75 = vector.broadcast %reduce_min3A : i1 to vector<16xi1>
    %reduce_min3A_76 = arith.constant -2147483648 : i32
    %reduce_min3A_77 = vector.broadcast %reduce_min3A_76 : i32 to vector<16xi32>
    %reduce_min3A_78 = arith.xori %get3A_74, %reduce_min3A_77 : vector<16xi32>
    %reduce_min3A_79 = tpu.scan <min>, %reduce_min3A_78 masked %reduce_min3A_75 : vector<16xi32>, vector<16xi1> -> vector<16xi32>
    %reduce_min3A_80 = arith.xori %reduce_min3A_79, %reduce_min3A_77 : vector<16xi32>
    %reduce_min3A_81 = vector.extract %reduce_min3A_80[15] : i32 from vector<16xi32>
    %get3A_82 = arith.constant 3120 : index
    %get3A_83 = tpu.vector_load %arg12[%get3A_82] {strides = array<i32>} : memref<3136xi32, #tpu.memory_space<vmem>>, vector<16xi32>,
    %reduce_max3A = arith.constant true
    %reduce_max3A_84 = vector.broadcast %reduce_max3A : i1 to vector<16xi1>
    %reduce_max3A_85 = arith.constant -2147483648 : i32
    %reduce_max3A_86 = vector.broadcast %reduce_max3A_85 : i32 to vector<16xi32>
    %reduce_max3A_87 = arith.xori %get3A_83, %reduce_max3A_86 : vector<16xi32>
    %reduce_max3A_88 = tpu.scan <max>, %reduce_max3A_87 masked %reduce_max3A_84 : vector<16xi32>, vector<16xi1> -> vector<16xi32>
    %reduce_max3A_89 = arith.xori %reduce_max3A_88, %reduce_max3A_86 : vector<16xi32>
    %reduce_max3A_90 = vector.extract %reduce_max3A_89[15] : i32 from vector<16xi32>
    %jit3A_91 = arith.constant 16 : i32
    %div3A = arith.divsi %reduce_min3A_81, %jit3A_91 : i32
    %sign3A = arith.constant 0 : i32
    %sign3A_92 = arith.cmpi sgt, %reduce_min3A_81, %sign3A : i32
    %sign3A_93 = arith.extui %sign3A_92 : i1 to i32
    %sign3A_94 = arith.constant 0 : i32
    %sign3A_95 = arith.cmpi slt, %reduce_min3A_81, %sign3A_94 : i32
    %sign3A_96 = arith.extui %sign3A_95 : i1 to i32
    %sign3A_97 = arith.subi %sign3A_93, %sign3A_96 : i32
    %sign3A_98 = arith.constant 0 : i32
    %sign3A_99 = arith.cmpi sgt, %jit3A_91, %sign3A_98 : i32
    %sign3A_100 = arith.extui %sign3A_99 : i1 to i32
    %sign3A_101 = arith.constant 0 : i32
    %sign3A_102 = arith.cmpi slt, %jit3A_91, %sign3A_101 : i32
    %sign3A_103 = arith.extui %sign3A_102 : i1 to i32
    %sign3A_104 = arith.subi %sign3A_100, %sign3A_103 : i32
    %ne3A = arith.cmpi ne, %sign3A_97, %sign3A_104 : i32
    %rem3A = arith.remsi %reduce_min3A_81, %jit3A_91 : i32
    %ne3A_105 = arith.constant 0 : i32
    %ne3A_106 = arith.cmpi ne, %rem3A, %ne3A_105 : i32
    %and3A = arith.andi %ne3A, %ne3A_106 : i1
    %sub3A = arith.constant 1 : i32
    %sub3A_107 = arith.subi %div3A, %sub3A : i32
    %select_n3A_108 = arith.select %and3A, %sub3A_107, %div3A : i32
    %jit3A_109 = arith.constant 16 : i32
    %div3A_110 = arith.divsi %reduce_max3A_90, %jit3A_109 : i32
    %sign3A_111 = arith.constant 0 : i32
    %sign3A_112 = arith.cmpi sgt, %reduce_max3A_90, %sign3A_111 : i32
    %sign3A_113 = arith.extui %sign3A_112 : i1 to i32
    %sign3A_114 = arith.constant 0 : i32
    %sign3A_115 = arith.cmpi slt, %reduce_max3A_90, %sign3A_114 : i32
    %sign3A_116 = arith.extui %sign3A_115 : i1 to i32
    %sign3A_117 = arith.subi %sign3A_113, %sign3A_116 : i32
    %sign3A_118 = arith.constant 0 : i32
    %sign3A_119 = arith.cmpi sgt, %jit3A_109, %sign3A_118 : i32
    %sign3A_120 = arith.extui %sign3A_119 : i1 to i32
    %sign3A_121 = arith.constant 0 : i32
    %sign3A_122 = arith.cmpi slt, %jit3A_109, %sign3A_121 : i32
    %sign3A_123 = arith.extui %sign3A_122 : i1 to i32
    %sign3A_124 = arith.subi %sign3A_120, %sign3A_123 : i32
    %ne3A_125 = arith.cmpi ne, %sign3A_117, %sign3A_124 : i32
    %rem3A_126 = arith.remsi %reduce_max3A_90, %jit3A_109 : i32
    %ne3A_127 = arith.constant 0 : i32
    %ne3A_128 = arith.cmpi ne, %rem3A_126, %ne3A_127 : i32
    %and3A_129 = arith.andi %ne3A_125, %ne3A_128 : i1
    %sub3A_130 = arith.constant 1 : i32
    %sub3A_131 = arith.subi %div3A_110, %sub3A_130 : i32
    %select_n3A_132 = arith.select %and3A_129, %sub3A_131, %div3A_110 : i32
    %sub3A_133 = arith.subi %select_n3A_132, %select_n3A_108 : i32
    %add3A_134 = arith.constant 1 : i32
    %add3A_135 = arith.addi %sub3A_133, %add3A_134 : i32
    %parallel_loop3A_136 = arith.constant 0 : i32
    %parallel_loop3A_137 = arith.constant 1 : i32
    scf.for %parallel_loop3A_178 = %parallel_loop3A_136 to %add3A_135 step %parallel_loop3A_137  : i32 {
      %parallel_loop3A_179 = arith.addi %select_n3A_108, %parallel_loop3A_178 : i32
      %parallel_loop3A_180 = arith.constant 16 : i32
      %parallel_loop3A_181 = arith.muli %parallel_loop3A_179, %parallel_loop3A_180 : i32
      %parallel_loop3A_182 = arith.constant 0 : i32
      %parallel_loop3A_183 = arith.addi %parallel_loop3A_182, %parallel_loop3A_181 : i32
      %parallel_loop3A_184 = arith.index_cast %parallel_loop3A_183 : i32 to index
      %parallel_loop3A_185 = tpu.vector_load %arg15[%parallel_loop3A_184] {strides = array<i32>} : memref<16384xf32, #tpu.memory_space<vmem>>, vector<16xf32>,
      tpu.vector_store %arg15[%parallel_loop3A_184], %broadcast_in_dim3A_42 {strides = array<i32>} : memref<16384xf32, #tpu.memory_space<vmem>>, vector<16xf32>,
      %parallel_loop3A_186 = arith.constant 0 : i32
      %parallel_loop3A_187 = arith.addi %parallel_loop3A_186, %parallel_loop3A_181 : i32
      %parallel_loop3A_188 = arith.index_cast %parallel_loop3A_187 : i32 to index
      %parallel_loop3A_189 = tpu.vector_load %arg16[%parallel_loop3A_188] {strides = array<i32>} : memref<16384xf32, #tpu.memory_space<vmem>>, vector<16xf32>,
      tpu.vector_store %arg16[%parallel_loop3A_188], %broadcast_in_dim3A_42 {strides = array<i32>} : memref<16384xf32, #tpu.memory_space<vmem>>, vector<16xf32>,
      %parallel_loop3A_190 = arith.constant 1024 : i32
      %parallel_loop3A_191 = arith.addi %parallel_loop3A_190, %parallel_loop3A_181 : i32
      %parallel_loop3A_192 = arith.index_cast %parallel_loop3A_191 : i32 to index
      %parallel_loop3A_193 = tpu.vector_load %arg15[%parallel_loop3A_192] {strides = array<i32>} : memref<16384xf32, #tpu.memory_space<vmem>>, vector<16xf32>,
      tpu.vector_store %arg15[%parallel_loop3A_192], %broadcast_in_dim3A_42 {strides = array<i32>} : memref<16384xf32, #tpu.memory_space<vmem>>, vector<16xf32>,
      %parallel_loop3A_194 = arith.constant 1024 : i32
      %parallel_loop3A_195 = arith.addi %parallel_loop3A_194, %parallel_loop3A_181 : i32
      %parallel_loop3A_196 = arith.index_cast %parallel_loop3A_195 : i32 to index
      %parallel_loop3A_197 = tpu.vector_load %arg16[%parallel_loop3A_196] {strides = array<i32>} : memref<16384xf32, #tpu.memory_space<vmem>>, vector<16xf32>,
      tpu.vector_store %arg16[%parallel_loop3A_196], %broadcast_in_dim3A_42 {strides = array<i32>} : memref<16384xf32, #tpu.memory_space<vmem>>, vector<16xf32>,
      %parallel_loop3A_198 = arith.constant 2048 : i32
      %parallel_loop3A_199 = arith.addi %parallel_loop3A_198, %parallel_loop3A_181 : i32
      %parallel_loop3A_200 = arith.index_cast %parallel_loop3A_199 : i32 to index
      %parallel_loop3A_201 = tpu.vector_load %arg15[%parallel_loop3A_200] {strides = array<i32>} : memref<16384xf32, #tpu.memory_space<vmem>>, vector<16xf32>,
      tpu.vector_store %arg15[%parallel_loop3A_200], %broadcast_in_dim3A_42 {strides = array<i32>} : memref<16384xf32, #tpu.memory_space<vmem>>, vector<16xf32>,
      %parallel_loop3A_202 = arith.constant 2048 : i32
      %parallel_loop3A_203 = arith.addi %parallel_loop3A_202, %parallel_loop3A_181 : i32
      %parallel_loop3A_204 = arith.index_cast %parallel_loop3A_203 : i32 to index
      %parallel_loop3A_205 = tpu.vector_load %arg16[%parallel_loop3A_204] {strides = array<i32>} : memref<16384xf32, #tpu.memory_space<vmem>>, vector<16xf32>,
      tpu.vector_store %arg16[%parallel_loop3A_204], %broadcast_in_dim3A_42 {strides = array<i32>} : memref<16384xf32, #tpu.memory_space<vmem>>, vector<16xf32>,
      %parallel_loop3A_206 = arith.constant 3072 : i32
      %parallel_loop3A_207 = arith.addi %parallel_loop3A_206, %parallel_loop3A_181 : i32
      %parallel_loop3A_208 = arith.index_cast %parallel_loop3A_207 : i32 to index
      %parallel_loop3A_209 = tpu.vector_load %arg15[%parallel_loop3A_208] {strides = array<i32>} : memref<16384xf32, #tpu.memory_space<vmem>>, vector<16xf32>,
      tpu.vector_store %arg15[%parallel_loop3A_208], %broadcast_in_dim3A_42 {strides = array<i32>} : memref<16384xf32, #tpu.memory_space<vmem>>, vector<16xf32>,
      %parallel_loop3A_210 = arith.constant 3072 : i32
      %parallel_loop3A_211 = arith.addi %parallel_loop3A_210, %parallel_loop3A_181 : i32
      %parallel_loop3A_212 = arith.index_cast %parallel_loop3A_211 : i32 to index
      %parallel_loop3A_213 = tpu.vector_load %arg16[%parallel_loop3A_212] {strides = array<i32>} : memref<16384xf32, #tpu.memory_space<vmem>>, vector<16xf32>,
      tpu.vector_store %arg16[%parallel_loop3A_212], %broadcast_in_dim3A_42 {strides = array<i32>} : memref<16384xf32, #tpu.memory_space<vmem>>, vector<16xf32>,
      %parallel_loop3A_214 = arith.constant 4096 : i32
      %parallel_loop3A_215 = arith.addi %parallel_loop3A_214, %parallel_loop3A_181 : i32
      %parallel_loop3A_216 = arith.index_cast %parallel_loop3A_215 : i32 to index
      %parallel_loop3A_217 = tpu.vector_load %arg15[%parallel_loop3A_216] {strides = array<i32>} : memref<16384xf32, #tpu.memory_space<vmem>>, vector<16xf32>,
      tpu.vector_store %arg15[%parallel_loop3A_216], %broadcast_in_dim3A_42 {strides = array<i32>} : memref<16384xf32, #tpu.memory_space<vmem>>, vector<16xf32>,
      %parallel_loop3A_218 = arith.constant 4096 : i32
      %parallel_loop3A_219 = arith.addi %parallel_loop3A_218, %parallel_loop3A_181 : i32
      %parallel_loop3A_220 = arith.index_cast %parallel_loop3A_219 : i32 to index
      %parallel_loop3A_221 = tpu.vector_load %arg16[%parallel_loop3A_220] {strides = array<i32>} : memref<16384xf32, #tpu.memory_space<vmem>>, vector<16xf32>,
      tpu.vector_store %arg16[%parallel_loop3A_220], %broadcast_in_dim3A_42 {strides = array<i32>} : memref<16384xf32, #tpu.memory_space<vmem>>, vector<16xf32>,
      %parallel_loop3A_222 = arith.constant 5120 : i32
      %parallel_loop3A_223 = arith.addi %parallel_loop3A_222, %parallel_loop3A_181 : i32
      %parallel_loop3A_224 = arith.index_cast %parallel_loop3A_223 : i32 to index
      %parallel_loop3A_225 = tpu.vector_load %arg15[%parallel_loop3A_224] {strides = array<i32>} : memref<16384xf32, #tpu.memory_space<vmem>>, vector<16xf32>,
      tpu.vector_store %arg15[%parallel_loop3A_224], %broadcast_in_dim3A_42 {strides = array<i32>} : memref<16384xf32, #tpu.memory_space<vmem>>, vector<16xf32>,
      %parallel_loop3A_226 = arith.constant 5120 : i32
      %parallel_loop3A_227 = arith.addi %parallel_loop3A_226, %parallel_loop3A_181 : i32
      %parallel_loop3A_228 = arith.index_cast %parallel_loop3A_227 : i32 to index
      %parallel_loop3A_229 = tpu.vector_load %arg16[%parallel_loop3A_228] {strides = array<i32>} : memref<16384xf32, #tpu.memory_space<vmem>>, vector<16xf32>,
      tpu.vector_store %arg16[%parallel_loop3A_228], %broadcast_in_dim3A_42 {strides = array<i32>} : memref<16384xf32, #tpu.memory_space<vmem>>, vector<16xf32>,
      %parallel_loop3A_230 = arith.constant 6144 : i32
      %parallel_loop3A_231 = arith.addi %parallel_loop3A_230, %parallel_loop3A_181 : i32
      %parallel_loop3A_232 = arith.index_cast %parallel_loop3A_231 : i32 to index
      %parallel_loop3A_233 = tpu.vector_load %arg15[%parallel_loop3A_232] {strides = array<i32>} : memref<16384xf32, #tpu.memory_space<vmem>>, vector<16xf32>,
      tpu.vector_store %arg15[%parallel_loop3A_232], %broadcast_in_dim3A_42 {strides = array<i32>} : memref<16384xf32, #tpu.memory_space<vmem>>, vector<16xf32>,
      %parallel_loop3A_234 = arith.constant 6144 : i32
      %parallel_loop3A_235 = arith.addi %parallel_loop3A_234, %parallel_loop3A_181 : i32
      %parallel_loop3A_236 = arith.index_cast %parallel_loop3A_235 : i32 to index
      %parallel_loop3A_237 = tpu.vector_load %arg16[%parallel_loop3A_236] {strides = array<i32>} : memref<16384xf32, #tpu.memory_space<vmem>>, vector<16xf32>,
      tpu.vector_store %arg16[%parallel_loop3A_236], %broadcast_in_dim3A_42 {strides = array<i32>} : memref<16384xf32, #tpu.memory_space<vmem>>, vector<16xf32>,
      %parallel_loop3A_238 = arith.constant 7168 : i32
      %parallel_loop3A_239 = arith.addi %parallel_loop3A_238, %parallel_loop3A_181 : i32
      %parallel_loop3A_240 = arith.index_cast %parallel_loop3A_239 : i32 to index
      %parallel_loop3A_241 = tpu.vector_load %arg15[%parallel_loop3A_240] {strides = array<i32>} : memref<16384xf32, #tpu.memory_space<vmem>>, vector<16xf32>,
      tpu.vector_store %arg15[%parallel_loop3A_240], %broadcast_in_dim3A_42 {strides = array<i32>} : memref<16384xf32, #tpu.memory_space<vmem>>, vector<16xf32>,
      %parallel_loop3A_242 = arith.constant 7168 : i32
      %parallel_loop3A_243 = arith.addi %parallel_loop3A_242, %parallel_loop3A_181 : i32
      %parallel_loop3A_244 = arith.index_cast %parallel_loop3A_243 : i32 to index
      %parallel_loop3A_245 = tpu.vector_load %arg16[%parallel_loop3A_244] {strides = array<i32>} : memref<16384xf32, #tpu.memory_space<vmem>>, vector<16xf32>,
      tpu.vector_store %arg16[%parallel_loop3A_244], %broadcast_in_dim3A_42 {strides = array<i32>} : memref<16384xf32, #tpu.memory_space<vmem>>, vector<16xf32>,
      %parallel_loop3A_246 = arith.constant 8192 : i32
      %parallel_loop3A_247 = arith.addi %parallel_loop3A_246, %parallel_loop3A_181 : i32
      %parallel_loop3A_248 = arith.index_cast %parallel_loop3A_247 : i32 to index
      %parallel_loop3A_249 = tpu.vector_load %arg15[%parallel_loop3A_248] {strides = array<i32>} : memref<16384xf32, #tpu.memory_space<vmem>>, vector<16xf32>,
      tpu.vector_store %arg15[%parallel_loop3A_248], %broadcast_in_dim3A_42 {strides = array<i32>} : memref<16384xf32, #tpu.memory_space<vmem>>, vector<16xf32>,
      %parallel_loop3A_250 = arith.constant 8192 : i32
      %parallel_loop3A_251 = arith.addi %parallel_loop3A_250, %parallel_loop3A_181 : i32
      %parallel_loop3A_252 = arith.index_cast %parallel_loop3A_251 : i32 to index
      %parallel_loop3A_253 = tpu.vector_load %arg16[%parallel_loop3A_252] {strides = array<i32>} : memref<16384xf32, #tpu.memory_space<vmem>>, vector<16xf32>,
      tpu.vector_store %arg16[%parallel_loop3A_252], %broadcast_in_dim3A_42 {strides = array<i32>} : memref<16384xf32, #tpu.memory_space<vmem>>, vector<16xf32>,
      %parallel_loop3A_254 = arith.constant 9216 : i32
      %parallel_loop3A_255 = arith.addi %parallel_loop3A_254, %parallel_loop3A_181 : i32
      %parallel_loop3A_256 = arith.index_cast %parallel_loop3A_255 : i32 to index
      %parallel_loop3A_257 = tpu.vector_load %arg15[%parallel_loop3A_256] {strides = array<i32>} : memref<16384xf32, #tpu.memory_space<vmem>>, vector<16xf32>,
      tpu.vector_store %arg15[%parallel_loop3A_256], %broadcast_in_dim3A_42 {strides = array<i32>} : memref<16384xf32, #tpu.memory_space<vmem>>, vector<16xf32>,
      %parallel_loop3A_258 = arith.constant 9216 : i32
      %parallel_loop3A_259 = arith.addi %parallel_loop3A_258, %parallel_loop3A_181 : i32
      %parallel_loop3A_260 = arith.index_cast %parallel_loop3A_259 : i32 to index
      %parallel_loop3A_261 = tpu.vector_load %arg16[%parallel_loop3A_260] {strides = array<i32>} : memref<16384xf32, #tpu.memory_space<vmem>>, vector<16xf32>,
      tpu.vector_store %arg16[%parallel_loop3A_260], %broadcast_in_dim3A_42 {strides = array<i32>} : memref<16384xf32, #tpu.memory_space<vmem>>, vector<16xf32>,
      %parallel_loop3A_262 = arith.constant 10240 : i32
      %parallel_loop3A_263 = arith.addi %parallel_loop3A_262, %parallel_loop3A_181 : i32
      %parallel_loop3A_264 = arith.index_cast %parallel_loop3A_263 : i32 to index
      %parallel_loop3A_265 = tpu.vector_load %arg15[%parallel_loop3A_264] {strides = array<i32>} : memref<16384xf32, #tpu.memory_space<vmem>>, vector<16xf32>,
      tpu.vector_store %arg15[%parallel_loop3A_264], %broadcast_in_dim3A_42 {strides = array<i32>} : memref<16384xf32, #tpu.memory_space<vmem>>, vector<16xf32>,
      %parallel_loop3A_266 = arith.constant 10240 : i32
      %parallel_loop3A_267 = arith.addi %parallel_loop3A_266, %parallel_loop3A_181 : i32
      %parallel_loop3A_268 = arith.index_cast %parallel_loop3A_267 : i32 to index
      %parallel_loop3A_269 = tpu.vector_load %arg16[%parallel_loop3A_268] {strides = array<i32>} : memref<16384xf32, #tpu.memory_space<vmem>>, vector<16xf32>,
      tpu.vector_store %arg16[%parallel_loop3A_268], %broadcast_in_dim3A_42 {strides = array<i32>} : memref<16384xf32, #tpu.memory_space<vmem>>, vector<16xf32>,
      %parallel_loop3A_270 = arith.constant 11264 : i32
      %parallel_loop3A_271 = arith.addi %parallel_loop3A_270, %parallel_loop3A_181 : i32
      %parallel_loop3A_272 = arith.index_cast %parallel_loop3A_271 : i32 to index
      %parallel_loop3A_273 = tpu.vector_load %arg15[%parallel_loop3A_272] {strides = array<i32>} : memref<16384xf32, #tpu.memory_space<vmem>>, vector<16xf32>,
      tpu.vector_store %arg15[%parallel_loop3A_272], %broadcast_in_dim3A_42 {strides = array<i32>} : memref<16384xf32, #tpu.memory_space<vmem>>, vector<16xf32>,
      %parallel_loop3A_274 = arith.constant 11264 : i32
      %parallel_loop3A_275 = arith.addi %parallel_loop3A_274, %parallel_loop3A_181 : i32
      %parallel_loop3A_276 = arith.index_cast %parallel_loop3A_275 : i32 to index
      %parallel_loop3A_277 = tpu.vector_load %arg16[%parallel_loop3A_276] {strides = array<i32>} : memref<16384xf32, #tpu.memory_space<vmem>>, vector<16xf32>,
      tpu.vector_store %arg16[%parallel_loop3A_276], %broadcast_in_dim3A_42 {strides = array<i32>} : memref<16384xf32, #tpu.memory_space<vmem>>, vector<16xf32>,
      %parallel_loop3A_278 = arith.constant 12288 : i32
      %parallel_loop3A_279 = arith.addi %parallel_loop3A_278, %parallel_loop3A_181 : i32
      %parallel_loop3A_280 = arith.index_cast %parallel_loop3A_279 : i32 to index
      %parallel_loop3A_281 = tpu.vector_load %arg15[%parallel_loop3A_280] {strides = array<i32>} : memref<16384xf32, #tpu.memory_space<vmem>>, vector<16xf32>,
      tpu.vector_store %arg15[%parallel_loop3A_280], %broadcast_in_dim3A_42 {strides = array<i32>} : memref<16384xf32, #tpu.memory_space<vmem>>, vector<16xf32>,
      %parallel_loop3A_282 = arith.constant 12288 : i32
      %parallel_loop3A_283 = arith.addi %parallel_loop3A_282, %parallel_loop3A_181 : i32
      %parallel_loop3A_284 = arith.index_cast %parallel_loop3A_283 : i32 to index
      %parallel_loop3A_285 = tpu.vector_load %arg16[%parallel_loop3A_284] {strides = array<i32>} : memref<16384xf32, #tpu.memory_space<vmem>>, vector<16xf32>,
      tpu.vector_store %arg16[%parallel_loop3A_284], %broadcast_in_dim3A_42 {strides = array<i32>} : memref<16384xf32, #tpu.memory_space<vmem>>, vector<16xf32>,
      %parallel_loop3A_286 = arith.constant 13312 : i32
      %parallel_loop3A_287 = arith.addi %parallel_loop3A_286, %parallel_loop3A_181 : i32
      %parallel_loop3A_288 = arith.index_cast %parallel_loop3A_287 : i32 to index
      %parallel_loop3A_289 = tpu.vector_load %arg15[%parallel_loop3A_288] {strides = array<i32>} : memref<16384xf32, #tpu.memory_space<vmem>>, vector<16xf32>,
      tpu.vector_store %arg15[%parallel_loop3A_288], %broadcast_in_dim3A_42 {strides = array<i32>} : memref<16384xf32, #tpu.memory_space<vmem>>, vector<16xf32>,
      %parallel_loop3A_290 = arith.constant 13312 : i32
      %parallel_loop3A_291 = arith.addi %parallel_loop3A_290, %parallel_loop3A_181 : i32
      %parallel_loop3A_292 = arith.index_cast %parallel_loop3A_291 : i32 to index
      %parallel_loop3A_293 = tpu.vector_load %arg16[%parallel_loop3A_292] {strides = array<i32>} : memref<16384xf32, #tpu.memory_space<vmem>>, vector<16xf32>,
      tpu.vector_store %arg16[%parallel_loop3A_292], %broadcast_in_dim3A_42 {strides = array<i32>} : memref<16384xf32, #tpu.memory_space<vmem>>, vector<16xf32>,
      %parallel_loop3A_294 = arith.constant 14336 : i32
      %parallel_loop3A_295 = arith.addi %parallel_loop3A_294, %parallel_loop3A_181 : i32
      %parallel_loop3A_296 = arith.index_cast %parallel_loop3A_295 : i32 to index
      %parallel_loop3A_297 = tpu.vector_load %arg15[%parallel_loop3A_296] {strides = array<i32>} : memref<16384xf32, #tpu.memory_space<vmem>>, vector<16xf32>,
      tpu.vector_store %arg15[%parallel_loop3A_296], %broadcast_in_dim3A_42 {strides = array<i32>} : memref<16384xf32, #tpu.memory_space<vmem>>, vector<16xf32>,
      %parallel_loop3A_298 = arith.constant 14336 : i32
      %parallel_loop3A_299 = arith.addi %parallel_loop3A_298, %parallel_loop3A_181 : i32
      %parallel_loop3A_300 = arith.index_cast %parallel_loop3A_299 : i32 to index
      %parallel_loop3A_301 = tpu.vector_load %arg16[%parallel_loop3A_300] {strides = array<i32>} : memref<16384xf32, #tpu.memory_space<vmem>>, vector<16xf32>,
      tpu.vector_store %arg16[%parallel_loop3A_300], %broadcast_in_dim3A_42 {strides = array<i32>} : memref<16384xf32, #tpu.memory_space<vmem>>, vector<16xf32>,
      %parallel_loop3A_302 = arith.constant 15360 : i32
      %parallel_loop3A_303 = arith.addi %parallel_loop3A_302, %parallel_loop3A_181 : i32
      %parallel_loop3A_304 = arith.index_cast %parallel_loop3A_303 : i32 to index
      %parallel_loop3A_305 = tpu.vector_load %arg15[%parallel_loop3A_304] {strides = array<i32>} : memref<16384xf32, #tpu.memory_space<vmem>>, vector<16xf32>,
      tpu.vector_store %arg15[%parallel_loop3A_304], %broadcast_in_dim3A_42 {strides = array<i32>} : memref<16384xf32, #tpu.memory_space<vmem>>, vector<16xf32>,
      %parallel_loop3A_306 = arith.constant 15360 : i32
      %parallel_loop3A_307 = arith.addi %parallel_loop3A_306, %parallel_loop3A_181 : i32
      %parallel_loop3A_308 = arith.index_cast %parallel_loop3A_307 : i32 to index
      %parallel_loop3A_309 = tpu.vector_load %arg16[%parallel_loop3A_308] {strides = array<i32>} : memref<16384xf32, #tpu.memory_space<vmem>>, vector<16xf32>,
      tpu.vector_store %arg16[%parallel_loop3A_308], %broadcast_in_dim3A_42 {strides = array<i32>} : memref<16384xf32, #tpu.memory_space<vmem>>, vector<16xf32>,
    } {sc.loop_unroll_factor = 2 : i64, sc.parallel_access}
    %lt3A_138 = arith.constant 31 : i32
    %lt3A_139 = arith.cmpi slt, %add3A, %lt3A_138 : i32
    %parallel_loop3A_140 = arith.constant 0 : i32
    %parallel_loop3A_141 = arith.constant 196 : i32
    %parallel_loop3A_142 = arith.constant 1 : i32
    scf.for %parallel_loop3A_178 = %parallel_loop3A_140 to %parallel_loop3A_141 step %parallel_loop3A_142  : i32 {
      %parallel_loop3A_179 = arith.constant 16 : i32
      %parallel_loop3A_180 = arith.muli %parallel_loop3A_178, %parallel_loop3A_179 : i32
      %parallel_loop3A_181 = arith.index_cast %parallel_loop3A_180 : i32 to index
      %parallel_loop3A_182 = tpu.vector_load %arg11[%parallel_loop3A_181] {strides = array<i32>} : memref<3136xi32, #tpu.memory_space<vmem>>, vector<16xi32>,
      %parallel_loop3A_183 = tpu.vector_load_idx %arg9[%parallel_loop3A_182] : memref<128xf32, #tpu.memory_space<vmem>>[vector<16xi32>], vector<16xf32>,
      %parallel_loop3A_184 = tpu.vector_load_idx %arg10[%parallel_loop3A_182] : memref<128xf32, #tpu.memory_space<vmem>>[vector<16xi32>], vector<16xf32>,
      %parallel_loop3A_185 = arith.index_cast %parallel_loop3A_180 : i32 to index
      %parallel_loop3A_186 = tpu.vector_load %arg12[%parallel_loop3A_185] {strides = array<i32>} : memref<3136xi32, #tpu.memory_space<vmem>>, vector<16xi32>,
      %parallel_loop3A_187 = arith.constant 22 : i32
      %parallel_loop3A_188 = arith.cmpi sge, %parallel_loop3A_178, %parallel_loop3A_187 : i32
      %parallel_loop3A_189 = arith.ori %lt3A_139, %parallel_loop3A_188 : i1
      %parallel_loop3A_190 = vector.broadcast %parallel_loop3A_189 : i1 to vector<16xi1>
      %parallel_loop3A_191 = arith.addi %mul3A_41, %parallel_loop3A_186 : vector<16xi32>
      tpu.vector_store_idx %arg15[%parallel_loop3A_191], %parallel_loop3A_183 masked %parallel_loop3A_190 {add = true} : memref<16384xf32, #tpu.memory_space<vmem>>[vector<16xi32>], vector<16xf32>, vector<16xi1>
      %parallel_loop3A_192 = arith.mulf %parallel_loop3A_184, %parallel_loop3A_184 : vector<16xf32>
      tpu.vector_store_idx %arg16[%parallel_loop3A_191], %parallel_loop3A_192 masked %parallel_loop3A_190 {add = true} : memref<16384xf32, #tpu.memory_space<vmem>>[vector<16xi32>], vector<16xf32>, vector<16xi1>
      %parallel_loop3A_193 = arith.constant 1.000000e+00 : f32
      %parallel_loop3A_194 = vector.broadcast %parallel_loop3A_193 : f32 to vector<16xf32>
      %parallel_loop3A_195 = arith.divf %parallel_loop3A_194, %parallel_loop3A_184 : vector<16xf32>
      %parallel_loop3A_196 = arith.constant 0 : i32
      %parallel_loop3A_197 = arith.addi %parallel_loop3A_196, %parallel_loop3A_180 : i32
      %parallel_loop3A_198 = arith.index_cast %parallel_loop3A_197 : i32 to index
      %parallel_loop3A_199 = tpu.vector_load %arg13[%parallel_loop3A_198] {strides = array<i32>} : memref<9408xf32, #tpu.memory_space<vmem>>, vector<16xf32>,
      %parallel_loop3A_200 = arith.mulf %parallel_loop3A_199, %parallel_loop3A_195 : vector<16xf32>
      %parallel_loop3A_201 = arith.constant 0 : i32
      %parallel_loop3A_202 = arith.addi %parallel_loop3A_201, %parallel_loop3A_180 : i32
      %parallel_loop3A_203 = arith.index_cast %parallel_loop3A_202 : i32 to index
      %parallel_loop3A_204 = tpu.vector_load %arg14[%parallel_loop3A_203] {strides = array<i32>} : memref<9408xf32, #tpu.memory_space<vmem>>, vector<16xf32>,
      tpu.vector_store %arg14[%parallel_loop3A_203], %parallel_loop3A_200 {strides = array<i32>} : memref<9408xf32, #tpu.memory_space<vmem>>, vector<16xf32>,
      %parallel_loop3A_205 = arith.constant 3136 : i32
      %parallel_loop3A_206 = arith.addi %parallel_loop3A_205, %parallel_loop3A_180 : i32
      %parallel_loop3A_207 = arith.index_cast %parallel_loop3A_206 : i32 to index
      %parallel_loop3A_208 = tpu.vector_load %arg13[%parallel_loop3A_207] {strides = array<i32>} : memref<9408xf32, #tpu.memory_space<vmem>>, vector<16xf32>,
      %parallel_loop3A_209 = arith.mulf %parallel_loop3A_208, %parallel_loop3A_195 : vector<16xf32>
      %parallel_loop3A_210 = arith.constant 3136 : i32
      %parallel_loop3A_211 = arith.addi %parallel_loop3A_210, %parallel_loop3A_180 : i32
      %parallel_loop3A_212 = arith.index_cast %parallel_loop3A_211 : i32 to index
      %parallel_loop3A_213 = tpu.vector_load %arg14[%parallel_loop3A_212] {strides = array<i32>} : memref<9408xf32, #tpu.memory_space<vmem>>, vector<16xf32>,
      tpu.vector_store %arg14[%parallel_loop3A_212], %parallel_loop3A_209 {strides = array<i32>} : memref<9408xf32, #tpu.memory_space<vmem>>, vector<16xf32>,
      %parallel_loop3A_214 = arith.constant 6272 : i32
      %parallel_loop3A_215 = arith.addi %parallel_loop3A_214, %parallel_loop3A_180 : i32
      %parallel_loop3A_216 = arith.index_cast %parallel_loop3A_215 : i32 to index
      %parallel_loop3A_217 = tpu.vector_load %arg13[%parallel_loop3A_216] {strides = array<i32>} : memref<9408xf32, #tpu.memory_space<vmem>>, vector<16xf32>,
      %parallel_loop3A_218 = arith.mulf %parallel_loop3A_217, %parallel_loop3A_195 : vector<16xf32>
      %parallel_loop3A_219 = arith.constant 6272 : i32
      %parallel_loop3A_220 = arith.addi %parallel_loop3A_219, %parallel_loop3A_180 : i32
      %parallel_loop3A_221 = arith.index_cast %parallel_loop3A_220 : i32 to index
      %parallel_loop3A_222 = tpu.vector_load %arg14[%parallel_loop3A_221] {strides = array<i32>} : memref<9408xf32, #tpu.memory_space<vmem>>, vector<16xf32>,
      tpu.vector_store %arg14[%parallel_loop3A_221], %parallel_loop3A_218 {strides = array<i32>} : memref<9408xf32, #tpu.memory_space<vmem>>, vector<16xf32>,
    } {sc.loop_unroll_factor = 4 : i64, sc.parallel_access}
    %parallel_loop3A_143 = arith.constant 0 : i32
    %parallel_loop3A_144 = arith.constant 1 : i32
    scf.for %parallel_loop3A_178 = %parallel_loop3A_143 to %add3A_135 step %parallel_loop3A_144  : i32 {
      %parallel_loop3A_179 = arith.addi %select_n3A_108, %parallel_loop3A_178 : i32
      %parallel_loop3A_180 = arith.constant 16 : i32
      %parallel_loop3A_181 = arith.muli %parallel_loop3A_179, %parallel_loop3A_180 : i32
      %parallel_loop3A_182 = arith.index_cast %parallel_loop3A_181 : i32 to index
      %parallel_loop3A_183 = tpu.vector_load %arg15[%parallel_loop3A_182] {strides = array<i32>} : memref<16384xf32, #tpu.memory_space<vmem>>, vector<16xf32>,
      %parallel_loop3A_184 = arith.index_cast %parallel_loop3A_181 : i32 to index
      %parallel_loop3A_185 = tpu.vector_load %arg16[%parallel_loop3A_184] {strides = array<i32>} : memref<16384xf32, #tpu.memory_space<vmem>>, vector<16xf32>,
      %parallel_loop3A_186 = arith.constant 1024 : i32
      %parallel_loop3A_187 = arith.addi %parallel_loop3A_186, %parallel_loop3A_181 : i32
      %parallel_loop3A_188 = arith.index_cast %parallel_loop3A_187 : i32 to index
      %parallel_loop3A_189 = tpu.vector_load %arg15[%parallel_loop3A_188] {strides = array<i32>} : memref<16384xf32, #tpu.memory_space<vmem>>, vector<16xf32>,
      %parallel_loop3A_190 = arith.addf %parallel_loop3A_183, %parallel_loop3A_189 : vector<16xf32>
      %parallel_loop3A_191 = arith.constant 1024 : i32
      %parallel_loop3A_192 = arith.addi %parallel_loop3A_191, %parallel_loop3A_181 : i32
      %parallel_loop3A_193 = arith.index_cast %parallel_loop3A_192 : i32 to index
      %parallel_loop3A_194 = tpu.vector_load %arg16[%parallel_loop3A_193] {strides = array<i32>} : memref<16384xf32, #tpu.memory_space<vmem>>, vector<16xf32>,
      %parallel_loop3A_195 = arith.addf %parallel_loop3A_185, %parallel_loop3A_194 : vector<16xf32>
      %parallel_loop3A_196 = arith.constant 2048 : i32
      %parallel_loop3A_197 = arith.addi %parallel_loop3A_196, %parallel_loop3A_181 : i32
      %parallel_loop3A_198 = arith.index_cast %parallel_loop3A_197 : i32 to index
      %parallel_loop3A_199 = tpu.vector_load %arg15[%parallel_loop3A_198] {strides = array<i32>} : memref<16384xf32, #tpu.memory_space<vmem>>, vector<16xf32>,
      %parallel_loop3A_200 = arith.addf %parallel_loop3A_190, %parallel_loop3A_199 : vector<16xf32>
      %parallel_loop3A_201 = arith.constant 2048 : i32
      %parallel_loop3A_202 = arith.addi %parallel_loop3A_201, %parallel_loop3A_181 : i32
      %parallel_loop3A_203 = arith.index_cast %parallel_loop3A_202 : i32 to index
      %parallel_loop3A_204 = tpu.vector_load %arg16[%parallel_loop3A_203] {strides = array<i32>} : memref<16384xf32, #tpu.memory_space<vmem>>, vector<16xf32>,
      %parallel_loop3A_205 = arith.addf %parallel_loop3A_195, %parallel_loop3A_204 : vector<16xf32>
      %parallel_loop3A_206 = arith.constant 3072 : i32
      %parallel_loop3A_207 = arith.addi %parallel_loop3A_206, %parallel_loop3A_181 : i32
      %parallel_loop3A_208 = arith.index_cast %parallel_loop3A_207 : i32 to index
      %parallel_loop3A_209 = tpu.vector_load %arg15[%parallel_loop3A_208] {strides = array<i32>} : memref<16384xf32, #tpu.memory_space<vmem>>, vector<16xf32>,
      %parallel_loop3A_210 = arith.addf %parallel_loop3A_200, %parallel_loop3A_209 : vector<16xf32>
      %parallel_loop3A_211 = arith.constant 3072 : i32
      %parallel_loop3A_212 = arith.addi %parallel_loop3A_211, %parallel_loop3A_181 : i32
      %parallel_loop3A_213 = arith.index_cast %parallel_loop3A_212 : i32 to index
      %parallel_loop3A_214 = tpu.vector_load %arg16[%parallel_loop3A_213] {strides = array<i32>} : memref<16384xf32, #tpu.memory_space<vmem>>, vector<16xf32>,
      %parallel_loop3A_215 = arith.addf %parallel_loop3A_205, %parallel_loop3A_214 : vector<16xf32>
      %parallel_loop3A_216 = arith.constant 4096 : i32
      %parallel_loop3A_217 = arith.addi %parallel_loop3A_216, %parallel_loop3A_181 : i32
      %parallel_loop3A_218 = arith.index_cast %parallel_loop3A_217 : i32 to index
      %parallel_loop3A_219 = tpu.vector_load %arg15[%parallel_loop3A_218] {strides = array<i32>} : memref<16384xf32, #tpu.memory_space<vmem>>, vector<16xf32>,
      %parallel_loop3A_220 = arith.addf %parallel_loop3A_210, %parallel_loop3A_219 : vector<16xf32>
      %parallel_loop3A_221 = arith.constant 4096 : i32
      %parallel_loop3A_222 = arith.addi %parallel_loop3A_221, %parallel_loop3A_181 : i32
      %parallel_loop3A_223 = arith.index_cast %parallel_loop3A_222 : i32 to index
      %parallel_loop3A_224 = tpu.vector_load %arg16[%parallel_loop3A_223] {strides = array<i32>} : memref<16384xf32, #tpu.memory_space<vmem>>, vector<16xf32>,
      %parallel_loop3A_225 = arith.addf %parallel_loop3A_215, %parallel_loop3A_224 : vector<16xf32>
      %parallel_loop3A_226 = arith.constant 5120 : i32
      %parallel_loop3A_227 = arith.addi %parallel_loop3A_226, %parallel_loop3A_181 : i32
      %parallel_loop3A_228 = arith.index_cast %parallel_loop3A_227 : i32 to index
      %parallel_loop3A_229 = tpu.vector_load %arg15[%parallel_loop3A_228] {strides = array<i32>} : memref<16384xf32, #tpu.memory_space<vmem>>, vector<16xf32>,
      %parallel_loop3A_230 = arith.addf %parallel_loop3A_220, %parallel_loop3A_229 : vector<16xf32>
      %parallel_loop3A_231 = arith.constant 5120 : i32
      %parallel_loop3A_232 = arith.addi %parallel_loop3A_231, %parallel_loop3A_181 : i32
      %parallel_loop3A_233 = arith.index_cast %parallel_loop3A_232 : i32 to index
      %parallel_loop3A_234 = tpu.vector_load %arg16[%parallel_loop3A_233] {strides = array<i32>} : memref<16384xf32, #tpu.memory_space<vmem>>, vector<16xf32>,
      %parallel_loop3A_235 = arith.addf %parallel_loop3A_225, %parallel_loop3A_234 : vector<16xf32>
      %parallel_loop3A_236 = arith.constant 6144 : i32
      %parallel_loop3A_237 = arith.addi %parallel_loop3A_236, %parallel_loop3A_181 : i32
      %parallel_loop3A_238 = arith.index_cast %parallel_loop3A_237 : i32 to index
      %parallel_loop3A_239 = tpu.vector_load %arg15[%parallel_loop3A_238] {strides = array<i32>} : memref<16384xf32, #tpu.memory_space<vmem>>, vector<16xf32>,
      %parallel_loop3A_240 = arith.addf %parallel_loop3A_230, %parallel_loop3A_239 : vector<16xf32>
      %parallel_loop3A_241 = arith.constant 6144 : i32
      %parallel_loop3A_242 = arith.addi %parallel_loop3A_241, %parallel_loop3A_181 : i32
      %parallel_loop3A_243 = arith.index_cast %parallel_loop3A_242 : i32 to index
      %parallel_loop3A_244 = tpu.vector_load %arg16[%parallel_loop3A_243] {strides = array<i32>} : memref<16384xf32, #tpu.memory_space<vmem>>, vector<16xf32>,
      %parallel_loop3A_245 = arith.addf %parallel_loop3A_235, %parallel_loop3A_244 : vector<16xf32>
      %parallel_loop3A_246 = arith.constant 7168 : i32
      %parallel_loop3A_247 = arith.addi %parallel_loop3A_246, %parallel_loop3A_181 : i32
      %parallel_loop3A_248 = arith.index_cast %parallel_loop3A_247 : i32 to index
      %parallel_loop3A_249 = tpu.vector_load %arg15[%parallel_loop3A_248] {strides = array<i32>} : memref<16384xf32, #tpu.memory_space<vmem>>, vector<16xf32>,
      %parallel_loop3A_250 = arith.addf %parallel_loop3A_240, %parallel_loop3A_249 : vector<16xf32>
      %parallel_loop3A_251 = arith.constant 7168 : i32
      %parallel_loop3A_252 = arith.addi %parallel_loop3A_251, %parallel_loop3A_181 : i32
      %parallel_loop3A_253 = arith.index_cast %parallel_loop3A_252 : i32 to index
      %parallel_loop3A_254 = tpu.vector_load %arg16[%parallel_loop3A_253] {strides = array<i32>} : memref<16384xf32, #tpu.memory_space<vmem>>, vector<16xf32>,
      %parallel_loop3A_255 = arith.addf %parallel_loop3A_245, %parallel_loop3A_254 : vector<16xf32>
      %parallel_loop3A_256 = arith.constant 8192 : i32
      %parallel_loop3A_257 = arith.addi %parallel_loop3A_256, %parallel_loop3A_181 : i32
      %parallel_loop3A_258 = arith.index_cast %parallel_loop3A_257 : i32 to index
      %parallel_loop3A_259 = tpu.vector_load %arg15[%parallel_loop3A_258] {strides = array<i32>} : memref<16384xf32, #tpu.memory_space<vmem>>, vector<16xf32>,
      %parallel_loop3A_260 = arith.addf %parallel_loop3A_250, %parallel_loop3A_259 : vector<16xf32>
      %parallel_loop3A_261 = arith.constant 8192 : i32
      %parallel_loop3A_262 = arith.addi %parallel_loop3A_261, %parallel_loop3A_181 : i32
      %parallel_loop3A_263 = arith.index_cast %parallel_loop3A_262 : i32 to index
      %parallel_loop3A_264 = tpu.vector_load %arg16[%parallel_loop3A_263] {strides = array<i32>} : memref<16384xf32, #tpu.memory_space<vmem>>, vector<16xf32>,
      %parallel_loop3A_265 = arith.addf %parallel_loop3A_255, %parallel_loop3A_264 : vector<16xf32>
      %parallel_loop3A_266 = arith.constant 9216 : i32
      %parallel_loop3A_267 = arith.addi %parallel_loop3A_266, %parallel_loop3A_181 : i32
      %parallel_loop3A_268 = arith.index_cast %parallel_loop3A_267 : i32 to index
      %parallel_loop3A_269 = tpu.vector_load %arg15[%parallel_loop3A_268] {strides = array<i32>} : memref<16384xf32, #tpu.memory_space<vmem>>, vector<16xf32>,
      %parallel_loop3A_270 = arith.addf %parallel_loop3A_260, %parallel_loop3A_269 : vector<16xf32>
      %parallel_loop3A_271 = arith.constant 9216 : i32
      %parallel_loop3A_272 = arith.addi %parallel_loop3A_271, %parallel_loop3A_181 : i32
      %parallel_loop3A_273 = arith.index_cast %parallel_loop3A_272 : i32 to index
      %parallel_loop3A_274 = tpu.vector_load %arg16[%parallel_loop3A_273] {strides = array<i32>} : memref<16384xf32, #tpu.memory_space<vmem>>, vector<16xf32>,
      %parallel_loop3A_275 = arith.addf %parallel_loop3A_265, %parallel_loop3A_274 : vector<16xf32>
      %parallel_loop3A_276 = arith.constant 10240 : i32
      %parallel_loop3A_277 = arith.addi %parallel_loop3A_276, %parallel_loop3A_181 : i32
      %parallel_loop3A_278 = arith.index_cast %parallel_loop3A_277 : i32 to index
      %parallel_loop3A_279 = tpu.vector_load %arg15[%parallel_loop3A_278] {strides = array<i32>} : memref<16384xf32, #tpu.memory_space<vmem>>, vector<16xf32>,
      %parallel_loop3A_280 = arith.addf %parallel_loop3A_270, %parallel_loop3A_279 : vector<16xf32>
      %parallel_loop3A_281 = arith.constant 10240 : i32
      %parallel_loop3A_282 = arith.addi %parallel_loop3A_281, %parallel_loop3A_181 : i32
      %parallel_loop3A_283 = arith.index_cast %parallel_loop3A_282 : i32 to index
      %parallel_loop3A_284 = tpu.vector_load %arg16[%parallel_loop3A_283] {strides = array<i32>} : memref<16384xf32, #tpu.memory_space<vmem>>, vector<16xf32>,
      %parallel_loop3A_285 = arith.addf %parallel_loop3A_275, %parallel_loop3A_284 : vector<16xf32>
      %parallel_loop3A_286 = arith.constant 11264 : i32
      %parallel_loop3A_287 = arith.addi %parallel_loop3A_286, %parallel_loop3A_181 : i32
      %parallel_loop3A_288 = arith.index_cast %parallel_loop3A_287 : i32 to index
      %parallel_loop3A_289 = tpu.vector_load %arg15[%parallel_loop3A_288] {strides = array<i32>} : memref<16384xf32, #tpu.memory_space<vmem>>, vector<16xf32>,
      %parallel_loop3A_290 = arith.addf %parallel_loop3A_280, %parallel_loop3A_289 : vector<16xf32>
      %parallel_loop3A_291 = arith.constant 11264 : i32
      %parallel_loop3A_292 = arith.addi %parallel_loop3A_291, %parallel_loop3A_181 : i32
      %parallel_loop3A_293 = arith.index_cast %parallel_loop3A_292 : i32 to index
      %parallel_loop3A_294 = tpu.vector_load %arg16[%parallel_loop3A_293] {strides = array<i32>} : memref<16384xf32, #tpu.memory_space<vmem>>, vector<16xf32>,
      %parallel_loop3A_295 = arith.addf %parallel_loop3A_285, %parallel_loop3A_294 : vector<16xf32>
      %parallel_loop3A_296 = arith.constant 12288 : i32
      %parallel_loop3A_297 = arith.addi %parallel_loop3A_296, %parallel_loop3A_181 : i32
      %parallel_loop3A_298 = arith.index_cast %parallel_loop3A_297 : i32 to index
      %parallel_loop3A_299 = tpu.vector_load %arg15[%parallel_loop3A_298] {strides = array<i32>} : memref<16384xf32, #tpu.memory_space<vmem>>, vector<16xf32>,
      %parallel_loop3A_300 = arith.addf %parallel_loop3A_290, %parallel_loop3A_299 : vector<16xf32>
      %parallel_loop3A_301 = arith.constant 12288 : i32
      %parallel_loop3A_302 = arith.addi %parallel_loop3A_301, %parallel_loop3A_181 : i32
      %parallel_loop3A_303 = arith.index_cast %parallel_loop3A_302 : i32 to index
      %parallel_loop3A_304 = tpu.vector_load %arg16[%parallel_loop3A_303] {strides = array<i32>} : memref<16384xf32, #tpu.memory_space<vmem>>, vector<16xf32>,
      %parallel_loop3A_305 = arith.addf %parallel_loop3A_295, %parallel_loop3A_304 : vector<16xf32>
      %parallel_loop3A_306 = arith.constant 13312 : i32
      %parallel_loop3A_307 = arith.addi %parallel_loop3A_306, %parallel_loop3A_181 : i32
      %parallel_loop3A_308 = arith.index_cast %parallel_loop3A_307 : i32 to index
      %parallel_loop3A_309 = tpu.vector_load %arg15[%parallel_loop3A_308] {strides = array<i32>} : memref<16384xf32, #tpu.memory_space<vmem>>, vector<16xf32>,
      %parallel_loop3A_310 = arith.addf %parallel_loop3A_300, %parallel_loop3A_309 : vector<16xf32>
      %parallel_loop3A_311 = arith.constant 13312 : i32
      %parallel_loop3A_312 = arith.addi %parallel_loop3A_311, %parallel_loop3A_181 : i32
      %parallel_loop3A_313 = arith.index_cast %parallel_loop3A_312 : i32 to index
      %parallel_loop3A_314 = tpu.vector_load %arg16[%parallel_loop3A_313] {strides = array<i32>} : memref<16384xf32, #tpu.memory_space<vmem>>, vector<16xf32>,
      %parallel_loop3A_315 = arith.addf %parallel_loop3A_305, %parallel_loop3A_314 : vector<16xf32>
      %parallel_loop3A_316 = arith.constant 14336 : i32
      %parallel_loop3A_317 = arith.addi %parallel_loop3A_316, %parallel_loop3A_181 : i32
      %parallel_loop3A_318 = arith.index_cast %parallel_loop3A_317 : i32 to index
      %parallel_loop3A_319 = tpu.vector_load %arg15[%parallel_loop3A_318] {strides = array<i32>} : memref<16384xf32, #tpu.memory_space<vmem>>, vector<16xf32>,
      %parallel_loop3A_320 = arith.addf %parallel_loop3A_310, %parallel_loop3A_319 : vector<16xf32>
      %parallel_loop3A_321 = arith.constant 14336 : i32
      %parallel_loop3A_322 = arith.addi %parallel_loop3A_321, %parallel_loop3A_181 : i32
      %parallel_loop3A_323 = arith.index_cast %parallel_loop3A_322 : i32 to index
      %parallel_loop3A_324 = tpu.vector_load %arg16[%parallel_loop3A_323] {strides = array<i32>} : memref<16384xf32, #tpu.memory_space<vmem>>, vector<16xf32>,
      %parallel_loop3A_325 = arith.addf %parallel_loop3A_315, %parallel_loop3A_324 : vector<16xf32>
      %parallel_loop3A_326 = arith.constant 15360 : i32
      %parallel_loop3A_327 = arith.addi %parallel_loop3A_326, %parallel_loop3A_181 : i32
      %parallel_loop3A_328 = arith.index_cast %parallel_loop3A_327 : i32 to index
      %parallel_loop3A_329 = tpu.vector_load %arg15[%parallel_loop3A_328] {strides = array<i32>} : memref<16384xf32, #tpu.memory_space<vmem>>, vector<16xf32>,
      %parallel_loop3A_330 = arith.addf %parallel_loop3A_320, %parallel_loop3A_329 : vector<16xf32>
      %parallel_loop3A_331 = arith.constant 15360 : i32
      %parallel_loop3A_332 = arith.addi %parallel_loop3A_331, %parallel_loop3A_181 : i32
      %parallel_loop3A_333 = arith.index_cast %parallel_loop3A_332 : i32 to index
      %parallel_loop3A_334 = tpu.vector_load %arg16[%parallel_loop3A_333] {strides = array<i32>} : memref<16384xf32, #tpu.memory_space<vmem>>, vector<16xf32>,
      %parallel_loop3A_335 = arith.addf %parallel_loop3A_325, %parallel_loop3A_334 : vector<16xf32>
      %parallel_loop3A_336 = arith.index_cast %parallel_loop3A_181 : i32 to index
      %parallel_loop3A_337 = tpu.vector_load %arg17[%parallel_loop3A_336] {strides = array<i32>} : memref<1024xf32, #tpu.memory_space<vmem>>, vector<16xf32>,
      tpu.vector_store %arg17[%parallel_loop3A_336], %parallel_loop3A_330 {strides = array<i32>} : memref<1024xf32, #tpu.memory_space<vmem>>, vector<16xf32>,
      %parallel_loop3A_338 = arith.index_cast %parallel_loop3A_181 : i32 to index
      %parallel_loop3A_339 = tpu.vector_load %arg18[%parallel_loop3A_338] {strides = array<i32>} : memref<1024xf32, #tpu.memory_space<vmem>>, vector<16xf32>,
      tpu.vector_store %arg18[%parallel_loop3A_338], %parallel_loop3A_335 {strides = array<i32>} : memref<1024xf32, #tpu.memory_space<vmem>>, vector<16xf32>,
    } {sc.loop_unroll_factor = 2 : i64, sc.parallel_access}
    %dma_start3A_145 = arith.constant 0 : i32
    %dma_start3A_146 = tpu.memref_slice %arg8[%add3A, %dma_start3A_145] : memref<64x1024xf32, #tpu.memory_space<hbm>> -> memref<1x1024xf32, #tpu.memory_space<hbm>>
    %dma_start3A_147 = tpu.memref_squeeze %dma_start3A_146 : memref<1x1024xf32, #tpu.memory_space<hbm>> -> memref<1024xf32, #tpu.memory_space<hbm>>
    %dma_start3A_148 = arith.constant 0 : i32
    %dma_start3A_149 = tpu.memref_slice %arg8[%add3A, %dma_start3A_148] : memref<64x1024xf32, #tpu.memory_space<hbm>> -> memref<1x1024xf32, #tpu.memory_space<hbm>>
    %dma_start3A_150 = tpu.memref_squeeze %dma_start3A_149 : memref<1x1024xf32, #tpu.memory_space<hbm>> -> memref<1024xf32, #tpu.memory_space<hbm>>
    tpu.enqueue_dma source(%arg17 : memref<1024xf32, #tpu.memory_space<vmem>>) target(%dma_start3A_150 : memref<1024xf32, #tpu.memory_space<hbm>>) target_semaphore(%arg19 : memref<!tpu.dma_semaphore, #tpu.memory_space<semaphore_mem>>)
    %add3A_151 = arith.constant 32 : i32
    %add3A_152 = arith.addi %add3A_151, %add3A : i32
    %dma_start3A_153 = arith.constant 0 : i32
    %dma_start3A_154 = tpu.memref_slice %arg8[%add3A_152, %dma_start3A_153] : memref<64x1024xf32, #tpu.memory_space<hbm>> -> memref<1x1024xf32, #tpu.memory_space<hbm>>
    %dma_start3A_155 = tpu.memref_squeeze %dma_start3A_154 : memref<1x1024xf32, #tpu.memory_space<hbm>> -> memref<1024xf32, #tpu.memory_space<hbm>>
    %dma_start3A_156 = arith.constant 0 : i32
    %dma_start3A_157 = tpu.memref_slice %arg8[%add3A_152, %dma_start3A_156] : memref<64x1024xf32, #tpu.memory_space<hbm>> -> memref<1x1024xf32, #tpu.memory_space<hbm>>
    %dma_start3A_158 = tpu.memref_squeeze %dma_start3A_157 : memref<1x1024xf32, #tpu.memory_space<hbm>> -> memref<1024xf32, #tpu.memory_space<hbm>>
    tpu.enqueue_dma source(%arg18 : memref<1024xf32, #tpu.memory_space<vmem>>) target(%dma_start3A_158 : memref<1024xf32, #tpu.memory_space<hbm>>) target_semaphore(%arg19 : memref<!tpu.dma_semaphore, #tpu.memory_space<semaphore_mem>>)
    %lt3A_159 = arith.constant 31 : i32
    %lt3A_160 = arith.cmpi slt, %add3A, %lt3A_159 : i32
    %convert_element_type3A = arith.extui %lt3A_160 : i1 to i32
    %cond3A = arith.constant 0 : i32
    %cond3A_161 = arith.cmpi ne, %convert_element_type3A, %cond3A : i32
    scf.if %cond3A_161 {
      %add3A_178 = arith.constant 0 : i32
      %add3A_179 = arith.addi %add3A_178, %select_n3A : i32
      %dma_start3A_180 = arith.constant 0 : i32
      %dma_start3A_181 = tpu.memref_slice %arg14[%dma_start3A_180] : memref<9408xf32, #tpu.memory_space<vmem>> -> memref<3136xf32, #tpu.memory_space<vmem>>
      %dma_start3A_182 = tpu.memref_slice %arg7[%add3A_179] : memref<300000xf32, #tpu.memory_space<hbm>> -> memref<3136xf32, #tpu.memory_space<hbm>>
      %dma_start3A_183 = tpu.memref_slice %arg7[%add3A_179] : memref<300000xf32, #tpu.memory_space<hbm>> -> memref<3136xf32, #tpu.memory_space<hbm>>
      %dma_start3A_184 = arith.constant 0 : i32
      %dma_start3A_185 = tpu.memref_slice %arg14[%dma_start3A_184] : memref<9408xf32, #tpu.memory_space<vmem>> -> memref<3136xf32, #tpu.memory_space<vmem>>
      tpu.enqueue_dma source(%dma_start3A_185 : memref<3136xf32, #tpu.memory_space<vmem>>) target(%dma_start3A_183 : memref<3136xf32, #tpu.memory_space<hbm>>) target_semaphore(%arg19 : memref<!tpu.dma_semaphore, #tpu.memory_space<semaphore_mem>>)
      %add3A_186 = arith.constant 100000 : i32
      %add3A_187 = arith.addi %add3A_186, %select_n3A : i32
      %dma_start3A_188 = arith.constant 3136 : i32
      %dma_start3A_189 = tpu.memref_slice %arg14[%dma_start3A_188] : memref<9408xf32, #tpu.memory_space<vmem>> -> memref<3136xf32, #tpu.memory_space<vmem>>
      %dma_start3A_190 = tpu.memref_slice %arg7[%add3A_187] : memref<300000xf32, #tpu.memory_space<hbm>> -> memref<3136xf32, #tpu.memory_space<hbm>>
      %dma_start3A_191 = tpu.memref_slice %arg7[%add3A_187] : memref<300000xf32, #tpu.memory_space<hbm>> -> memref<3136xf32, #tpu.memory_space<hbm>>
      %dma_start3A_192 = arith.constant 3136 : i32
      %dma_start3A_193 = tpu.memref_slice %arg14[%dma_start3A_192] : memref<9408xf32, #tpu.memory_space<vmem>> -> memref<3136xf32, #tpu.memory_space<vmem>>
      tpu.enqueue_dma source(%dma_start3A_193 : memref<3136xf32, #tpu.memory_space<vmem>>) target(%dma_start3A_191 : memref<3136xf32, #tpu.memory_space<hbm>>) target_semaphore(%arg19 : memref<!tpu.dma_semaphore, #tpu.memory_space<semaphore_mem>>)
      %add3A_194 = arith.constant 200000 : i32
      %add3A_195 = arith.addi %add3A_194, %select_n3A : i32
      %dma_start3A_196 = arith.constant 6272 : i32
      %dma_start3A_197 = tpu.memref_slice %arg14[%dma_start3A_196] : memref<9408xf32, #tpu.memory_space<vmem>> -> memref<3136xf32, #tpu.memory_space<vmem>>
      %dma_start3A_198 = tpu.memref_slice %arg7[%add3A_195] : memref<300000xf32, #tpu.memory_space<hbm>> -> memref<3136xf32, #tpu.memory_space<hbm>>
      %dma_start3A_199 = tpu.memref_slice %arg7[%add3A_195] : memref<300000xf32, #tpu.memory_space<hbm>> -> memref<3136xf32, #tpu.memory_space<hbm>>
      %dma_start3A_200 = arith.constant 6272 : i32
      %dma_start3A_201 = tpu.memref_slice %arg14[%dma_start3A_200] : memref<9408xf32, #tpu.memory_space<vmem>> -> memref<3136xf32, #tpu.memory_space<vmem>>
      tpu.enqueue_dma source(%dma_start3A_201 : memref<3136xf32, #tpu.memory_space<vmem>>) target(%dma_start3A_199 : memref<3136xf32, #tpu.memory_space<hbm>>) target_semaphore(%arg19 : memref<!tpu.dma_semaphore, #tpu.memory_space<semaphore_mem>>)
      %dma_wait3A_202 = arith.constant 0 : i32
      %dma_wait3A_203 = tpu.memref_slice %arg14[%dma_wait3A_202] : memref<9408xf32, #tpu.memory_space<vmem>> -> memref<3136xf32, #tpu.memory_space<vmem>>
      %dma_wait3A_204 = tpu.memref_slice %arg7[%add3A_179] : memref<300000xf32, #tpu.memory_space<hbm>> -> memref<3136xf32, #tpu.memory_space<hbm>>
      %dma_wait3A_205 = tpu.memref_slice %arg7[%add3A_179] : memref<300000xf32, #tpu.memory_space<hbm>> -> memref<3136xf32, #tpu.memory_space<hbm>>
      %dma_wait3A_206 = arith.constant 0 : i32
      %dma_wait3A_207 = tpu.memref_slice %arg14[%dma_wait3A_206] : memref<9408xf32, #tpu.memory_space<vmem>> -> memref<3136xf32, #tpu.memory_space<vmem>>
      tpu.wait_dma2 semaphore(%arg19 : memref<!tpu.dma_semaphore, #tpu.memory_space<semaphore_mem>>) src(%dma_wait3A_207 : memref<3136xf32, #tpu.memory_space<vmem>>) dst(%dma_wait3A_205 : memref<3136xf32, #tpu.memory_space<hbm>>)
      %dma_wait3A_208 = arith.constant 3136 : i32
      %dma_wait3A_209 = tpu.memref_slice %arg14[%dma_wait3A_208] : memref<9408xf32, #tpu.memory_space<vmem>> -> memref<3136xf32, #tpu.memory_space<vmem>>
      %dma_wait3A_210 = tpu.memref_slice %arg7[%add3A_187] : memref<300000xf32, #tpu.memory_space<hbm>> -> memref<3136xf32, #tpu.memory_space<hbm>>
      %dma_wait3A_211 = tpu.memref_slice %arg7[%add3A_187] : memref<300000xf32, #tpu.memory_space<hbm>> -> memref<3136xf32, #tpu.memory_space<hbm>>
      %dma_wait3A_212 = arith.constant 3136 : i32
      %dma_wait3A_213 = tpu.memref_slice %arg14[%dma_wait3A_212] : memref<9408xf32, #tpu.memory_space<vmem>> -> memref<3136xf32, #tpu.memory_space<vmem>>
      tpu.wait_dma2 semaphore(%arg19 : memref<!tpu.dma_semaphore, #tpu.memory_space<semaphore_mem>>) src(%dma_wait3A_213 : memref<3136xf32, #tpu.memory_space<vmem>>) dst(%dma_wait3A_211 : memref<3136xf32, #tpu.memory_space<hbm>>)
      %dma_wait3A_214 = arith.constant 6272 : i32
      %dma_wait3A_215 = tpu.memref_slice %arg14[%dma_wait3A_214] : memref<9408xf32, #tpu.memory_space<vmem>> -> memref<3136xf32, #tpu.memory_space<vmem>>
      %dma_wait3A_216 = tpu.memref_slice %arg7[%add3A_195] : memref<300000xf32, #tpu.memory_space<hbm>> -> memref<3136xf32, #tpu.memory_space<hbm>>
      %dma_wait3A_217 = tpu.memref_slice %arg7[%add3A_195] : memref<300000xf32, #tpu.memory_space<hbm>> -> memref<3136xf32, #tpu.memory_space<hbm>>
      %dma_wait3A_218 = arith.constant 6272 : i32
      %dma_wait3A_219 = tpu.memref_slice %arg14[%dma_wait3A_218] : memref<9408xf32, #tpu.memory_space<vmem>> -> memref<3136xf32, #tpu.memory_space<vmem>>
      tpu.wait_dma2 semaphore(%arg19 : memref<!tpu.dma_semaphore, #tpu.memory_space<semaphore_mem>>) src(%dma_wait3A_219 : memref<3136xf32, #tpu.memory_space<vmem>>) dst(%dma_wait3A_217 : memref<3136xf32, #tpu.memory_space<hbm>>)
    } else {
    }
    %eq3A = arith.constant 31 : i32
    %eq3A_162 = arith.cmpi eq, %add3A, %eq3A : i32
    %convert_element_type3A_163 = arith.extui %eq3A_162 : i1 to i32
    %cond3A_164 = arith.constant 0 : i32
    %cond3A_165 = arith.cmpi ne, %convert_element_type3A_163, %cond3A_164 : i32
    scf.if %cond3A_165 {
      %dma_start3A_178 = arith.constant 352 : i32
      %dma_start3A_179 = tpu.memref_slice %arg14[%dma_start3A_178] : memref<9408xf32, #tpu.memory_space<vmem>> -> memref<2784xf32, #tpu.memory_space<vmem>>
      %dma_start3A_180 = arith.constant 97216 : i32
      %dma_start3A_181 = tpu.memref_slice %arg7[%dma_start3A_180] : memref<300000xf32, #tpu.memory_space<hbm>> -> memref<2784xf32, #tpu.memory_space<hbm>>
      %dma_start3A_182 = arith.constant 97216 : i32
      %dma_start3A_183 = tpu.memref_slice %arg7[%dma_start3A_182] : memref<300000xf32, #tpu.memory_space<hbm>> -> memref<2784xf32, #tpu.memory_space<hbm>>
      %dma_start3A_184 = arith.constant 352 : i32
      %dma_start3A_185 = tpu.memref_slice %arg14[%dma_start3A_184] : memref<9408xf32, #tpu.memory_space<vmem>> -> memref<2784xf32, #tpu.memory_space<vmem>>
      tpu.enqueue_dma source(%dma_start3A_185 : memref<2784xf32, #tpu.memory_space<vmem>>) target(%dma_start3A_183 : memref<2784xf32, #tpu.memory_space<hbm>>) target_semaphore(%arg19 : memref<!tpu.dma_semaphore, #tpu.memory_space<semaphore_mem>>)
      %dma_start3A_186 = arith.constant 3488 : i32
      %dma_start3A_187 = tpu.memref_slice %arg14[%dma_start3A_186] : memref<9408xf32, #tpu.memory_space<vmem>> -> memref<2784xf32, #tpu.memory_space<vmem>>
      %dma_start3A_188 = arith.constant 197216 : i32
      %dma_start3A_189 = tpu.memref_slice %arg7[%dma_start3A_188] : memref<300000xf32, #tpu.memory_space<hbm>> -> memref<2784xf32, #tpu.memory_space<hbm>>
      %dma_start3A_190 = arith.constant 197216 : i32
      %dma_start3A_191 = tpu.memref_slice %arg7[%dma_start3A_190] : memref<300000xf32, #tpu.memory_space<hbm>> -> memref<2784xf32, #tpu.memory_space<hbm>>
      %dma_start3A_192 = arith.constant 3488 : i32
      %dma_start3A_193 = tpu.memref_slice %arg14[%dma_start3A_192] : memref<9408xf32, #tpu.memory_space<vmem>> -> memref<2784xf32, #tpu.memory_space<vmem>>
      tpu.enqueue_dma source(%dma_start3A_193 : memref<2784xf32, #tpu.memory_space<vmem>>) target(%dma_start3A_191 : memref<2784xf32, #tpu.memory_space<hbm>>) target_semaphore(%arg19 : memref<!tpu.dma_semaphore, #tpu.memory_space<semaphore_mem>>)
      %dma_start3A_194 = arith.constant 6624 : i32
      %dma_start3A_195 = tpu.memref_slice %arg14[%dma_start3A_194] : memref<9408xf32, #tpu.memory_space<vmem>> -> memref<2784xf32, #tpu.memory_space<vmem>>
      %dma_start3A_196 = arith.constant 297216 : i32
      %dma_start3A_197 = tpu.memref_slice %arg7[%dma_start3A_196] : memref<300000xf32, #tpu.memory_space<hbm>> -> memref<2784xf32, #tpu.memory_space<hbm>>
      %dma_start3A_198 = arith.constant 297216 : i32
      %dma_start3A_199 = tpu.memref_slice %arg7[%dma_start3A_198] : memref<300000xf32, #tpu.memory_space<hbm>> -> memref<2784xf32, #tpu.memory_space<hbm>>
      %dma_start3A_200 = arith.constant 6624 : i32
      %dma_start3A_201 = tpu.memref_slice %arg14[%dma_start3A_200] : memref<9408xf32, #tpu.memory_space<vmem>> -> memref<2784xf32, #tpu.memory_space<vmem>>
      tpu.enqueue_dma source(%dma_start3A_201 : memref<2784xf32, #tpu.memory_space<vmem>>) target(%dma_start3A_199 : memref<2784xf32, #tpu.memory_space<hbm>>) target_semaphore(%arg19 : memref<!tpu.dma_semaphore, #tpu.memory_space<semaphore_mem>>)
      %dma_wait3A_202 = arith.constant 352 : i32
      %dma_wait3A_203 = tpu.memref_slice %arg14[%dma_wait3A_202] : memref<9408xf32, #tpu.memory_space<vmem>> -> memref<2784xf32, #tpu.memory_space<vmem>>
      %dma_wait3A_204 = arith.constant 97216 : i32
      %dma_wait3A_205 = tpu.memref_slice %arg7[%dma_wait3A_204] : memref<300000xf32, #tpu.memory_space<hbm>> -> memref<2784xf32, #tpu.memory_space<hbm>>
      %dma_wait3A_206 = arith.constant 97216 : i32
      %dma_wait3A_207 = tpu.memref_slice %arg7[%dma_wait3A_206] : memref<300000xf32, #tpu.memory_space<hbm>> -> memref<2784xf32, #tpu.memory_space<hbm>>
      %dma_wait3A_208 = arith.constant 352 : i32
      %dma_wait3A_209 = tpu.memref_slice %arg14[%dma_wait3A_208] : memref<9408xf32, #tpu.memory_space<vmem>> -> memref<2784xf32, #tpu.memory_space<vmem>>
      tpu.wait_dma2 semaphore(%arg19 : memref<!tpu.dma_semaphore, #tpu.memory_space<semaphore_mem>>) src(%dma_wait3A_209 : memref<2784xf32, #tpu.memory_space<vmem>>) dst(%dma_wait3A_207 : memref<2784xf32, #tpu.memory_space<hbm>>)
      %dma_wait3A_210 = arith.constant 3488 : i32
      %dma_wait3A_211 = tpu.memref_slice %arg14[%dma_wait3A_210] : memref<9408xf32, #tpu.memory_space<vmem>> -> memref<2784xf32, #tpu.memory_space<vmem>>
      %dma_wait3A_212 = arith.constant 197216 : i32
      %dma_wait3A_213 = tpu.memref_slice %arg7[%dma_wait3A_212] : memref<300000xf32, #tpu.memory_space<hbm>> -> memref<2784xf32, #tpu.memory_space<hbm>>
      %dma_wait3A_214 = arith.constant 197216 : i32
      %dma_wait3A_215 = tpu.memref_slice %arg7[%dma_wait3A_214] : memref<300000xf32, #tpu.memory_space<hbm>> -> memref<2784xf32, #tpu.memory_space<hbm>>
      %dma_wait3A_216 = arith.constant 3488 : i32
      %dma_wait3A_217 = tpu.memref_slice %arg14[%dma_wait3A_216] : memref<9408xf32, #tpu.memory_space<vmem>> -> memref<2784xf32, #tpu.memory_space<vmem>>
      tpu.wait_dma2 semaphore(%arg19 : memref<!tpu.dma_semaphore, #tpu.memory_space<semaphore_mem>>) src(%dma_wait3A_217 : memref<2784xf32, #tpu.memory_space<vmem>>) dst(%dma_wait3A_215 : memref<2784xf32, #tpu.memory_space<hbm>>)
      %dma_wait3A_218 = arith.constant 6624 : i32
      %dma_wait3A_219 = tpu.memref_slice %arg14[%dma_wait3A_218] : memref<9408xf32, #tpu.memory_space<vmem>> -> memref<2784xf32, #tpu.memory_space<vmem>>
      %dma_wait3A_220 = arith.constant 297216 : i32
      %dma_wait3A_221 = tpu.memref_slice %arg7[%dma_wait3A_220] : memref<300000xf32, #tpu.memory_space<hbm>> -> memref<2784xf32, #tpu.memory_space<hbm>>
      %dma_wait3A_222 = arith.constant 297216 : i32
      %dma_wait3A_223 = tpu.memref_slice %arg7[%dma_wait3A_222] : memref<300000xf32, #tpu.memory_space<hbm>> -> memref<2784xf32, #tpu.memory_space<hbm>>
      %dma_wait3A_224 = arith.constant 6624 : i32
      %dma_wait3A_225 = tpu.memref_slice %arg14[%dma_wait3A_224] : memref<9408xf32, #tpu.memory_space<vmem>> -> memref<2784xf32, #tpu.memory_space<vmem>>
      tpu.wait_dma2 semaphore(%arg19 : memref<!tpu.dma_semaphore, #tpu.memory_space<semaphore_mem>>) src(%dma_wait3A_225 : memref<2784xf32, #tpu.memory_space<vmem>>) dst(%dma_wait3A_223 : memref<2784xf32, #tpu.memory_space<hbm>>)
    } else {
    }
    %dma_wait3A_166 = arith.constant 0 : i32
    %dma_wait3A_167 = tpu.memref_slice %arg8[%add3A, %dma_wait3A_166] : memref<64x1024xf32, #tpu.memory_space<hbm>> -> memref<1x1024xf32, #tpu.memory_space<hbm>>
    %dma_wait3A_168 = tpu.memref_squeeze %dma_wait3A_167 : memref<1x1024xf32, #tpu.memory_space<hbm>> -> memref<1024xf32, #tpu.memory_space<hbm>>
    %dma_wait3A_169 = arith.constant 0 : i32
    %dma_wait3A_170 = tpu.memref_slice %arg8[%add3A, %dma_wait3A_169] : memref<64x1024xf32, #tpu.memory_space<hbm>> -> memref<1x1024xf32, #tpu.memory_space<hbm>>
    %dma_wait3A_171 = tpu.memref_squeeze %dma_wait3A_170 : memref<1x1024xf32, #tpu.memory_space<hbm>> -> memref<1024xf32, #tpu.memory_space<hbm>>
    tpu.wait_dma2 semaphore(%arg19 : memref<!tpu.dma_semaphore, #tpu.memory_space<semaphore_mem>>) src(%arg17 : memref<1024xf32, #tpu.memory_space<vmem>>) dst(%dma_wait3A_171 : memref<1024xf32, #tpu.memory_space<hbm>>)
    %dma_wait3A_172 = arith.constant 0 : i32
    %dma_wait3A_173 = tpu.memref_slice %arg8[%add3A_152, %dma_wait3A_172] : memref<64x1024xf32, #tpu.memory_space<hbm>> -> memref<1x1024xf32, #tpu.memory_space<hbm>>
    %dma_wait3A_174 = tpu.memref_squeeze %dma_wait3A_173 : memref<1x1024xf32, #tpu.memory_space<hbm>> -> memref<1024xf32, #tpu.memory_space<hbm>>
    %dma_wait3A_175 = arith.constant 0 : i32
    %dma_wait3A_176 = tpu.memref_slice %arg8[%add3A_152, %dma_wait3A_175] : memref<64x1024xf32, #tpu.memory_space<hbm>> -> memref<1x1024xf32, #tpu.memory_space<hbm>>
    %dma_wait3A_177 = tpu.memref_squeeze %dma_wait3A_176 : memref<1x1024xf32, #tpu.memory_space<hbm>> -> memref<1024xf32, #tpu.memory_space<hbm>>
    tpu.wait_dma2 semaphore(%arg19 : memref<!tpu.dma_semaphore, #tpu.memory_space<semaphore_mem>>) src(%arg18 : memref<1024xf32, #tpu.memory_space<vmem>>) dst(%dma_wait3A_177 : memref<1024xf32, #tpu.memory_space<hbm>>)
    return
  }
}

module attributes {stable_mosaic.version = 14 : i64} {
  func.func @_tc_body(%arg0: memref<1024xf32, #tpu.memory_space<vmem>>, %arg1: memref<64x1024xf32, #tpu.memory_space<vmem>>, %arg2: memref<1024xf32, #tpu.memory_space<vmem>>) attributes {dimension_semantics = [], scalar_prefetch = 0 : i64, scratch_operands = 0 : i64, tpu.core_type = #tpu.core_type<tc>} {
    %get3A = arith.constant 0 : index
    %get3A_0 = arith.constant 0 : index
    %get3A_1 = vector.load %arg1[%get3A, %get3A_0] : memref<64x1024xf32, #tpu.memory_space<vmem>>, vector<32x1024xf32>
    %reduce_sum3A = arith.constant dense<0.000000e+00> : vector<1024xf32>
    %reduce_sum3A_2 = vector.multi_reduction <add>, %get3A_1, %reduce_sum3A [0] : vector<32x1024xf32> to vector<1024xf32>
    %get3A_3 = arith.constant 32 : index
    %get3A_4 = arith.constant 0 : index
    %get3A_5 = vector.load %arg1[%get3A_3, %get3A_4] : memref<64x1024xf32, #tpu.memory_space<vmem>>, vector<32x1024xf32>
    %reduce_sum3A_6 = arith.constant dense<0.000000e+00> : vector<1024xf32>
    %reduce_sum3A_7 = vector.multi_reduction <add>, %get3A_5, %reduce_sum3A_6 [0] : vector<32x1024xf32> to vector<1024xf32>
    %get3A_8 = arith.constant 0 : index
    %get3A_9 = vector.load %arg0[%get3A_8] : memref<1024xf32, #tpu.memory_space<vmem>>, vector<1024xf32>
    %sub3A = arith.subf %get3A_9, %reduce_sum3A_2 : vector<1024xf32>
    %sqrt3A = math.sqrt %reduce_sum3A_7 : vector<1024xf32>
    %div3A = arith.divf %sub3A, %sqrt3A : vector<1024xf32>
    %swap3A = arith.constant 0 : index
    %swap3A_10 = vector.load %arg2[%swap3A] : memref<1024xf32, #tpu.memory_space<vmem>>, vector<1024xf32>
    tpu.vector_store %arg2[%swap3A], %div3A {strides = array<i32>} : memref<1024xf32, #tpu.memory_space<vmem>>, vector<1024xf32>,
    return
  }
}

</mosaic_0001>

<sc_bundles>
// kernel: kernel.4.cloned.1.call-start
scs
__scs_entry_jumppad:
0x0: {  	(pc) =	sbr.rel $0x88, $3  }
0x1: {  	(tag) =	ssettag $0x0;
	lr =	simm.s32 $0x1  }
0x2: {  	[smem:$0x3F9B] =	sst lr;
	_ =	strace $0xD0000000  }
0x3: {  	_ = 	snop  }
0x4: {  	_ = 	snop  }
0x5: {  	_ = 	snop  }
0x6: {  	_ = 	snop  }
0x7: {  	_ = 	snop  }
__scs_overlays_trampoline_lowered:
0x8: {  	[smem:$0x3FAA] =	sst s0  }
0x9: {  	[smem:$0x3FAB] =	sst s1  }
0xa: {  	[smem:$0x3FAC] =	sst s2  }
0xb: {  	[smem:$0x3FAD] =	sst s3  }
0xc: {  	[smem:$0x3FAE] =	sst s4  }
0xd: {  	[smem:$0x3FAF] =	sst s5  }
0xe: {  	[smem:$0x3FB0] =	sst s6  }
0xf: {  	[smem:$0x3FB1] =	sst s7  }
0x10: {  	[smem:$0x3FB2] =	sst s8  }
0x11: {  	[smem:$0x3FB3] =	sst s9;
	s0 =	simm.s32 @!p0 $0x0  }
0x12: {  	s1 =	sld [smem:$0x3F99];
	s0 =	simm.s32 @p0 $0x1  }
0x13: {  	[smem:$0x3FB4] =	sst s0;
	s0 =	simm.s32 @!p1 $0x0  }
0x14: {  	s2 =	sld [smem:$0x3F98];
	s0 =	simm.s32 @p1 $0x1  }
0x15: {  	[smem:$0x3FB5] =	sst s0;
	s0 =	simm.s32 @!p2 $0x0  }
0x16: {  	s3 =	sld [smem:$0x3FDB];
	s0 =	simm.s32 @p2 $0x1  }
0x17: {  	s4 =	simm.s32 $0x1BF5;
	[smem:$0x3FB7] =	sst s0  }
0x18: {  	s0 =	sld [smem:$0x3F9A];
	_ =	swait.ge [sflag:s4], $0x0  }
0x19: {  	s7 =	sld [smem:$0x3F9B]  }
0x1a: {  	s8 =	sadd.s32 $0xFFFFE003, lr  }
0x1b: {  	s9 =	sadd.s32 $0xFFFFFEF7, lr;
	s5 =	simm.s32 $0xFFFFFFFF;
	p2 =	slt.u32 s8, $0xFFFFF086  }
0x1c: {  	p1 =	slt.u32 s9, $0xF7A;
	s5 =	simm.s32 @!p2 $0x0  }
0x1d: {  	s5 =	simm.s32 @p1 $0x1;
	p0 =	seq.s32 s7, s2  }
0x1e: {  	s7 =	smul.u32 @!p0 $0xF7A, s2;
	p2 =	seq.s32 @!p0 s5, $0x0  }
0x1f: {  	s9 =	smul.u32 $0xF7A, s1;
	s8 =	simm.s32 @!p0 $0x1BF5;
	p2 =	por !p2, p0  }
0x20: {  	[sflag:s8] =	ssyncset.s32 @!p0 $0xFFFFF086;
	s6 =	sadd.s32 @!p0 s3, s7;
	s7 =	simm.s32 @!p0 $0x108  }
0x21: {  	s3 =	sadd.s32 s3, s9;
	s6 =	sadd.s32 @!p0 $0x88, s6;
	s7 =	simm.s32 @p2 $0x1082  }
0x22: {  	[simem:s7], [sflag:s8] =	dma.local @!p0 [hbm:s6], $0xF7A  }
0x23: {  	s9 =	sor.u32 $0xD0000000, s2;
	s6 =	simm.s32 $0x108;
	_ =	swait.ge @!p0 [sflag:s8], $0x0  }
0x24: {  	s3 =	sadd.s32 $0x88, s3;
	s6 =	simm.s32 @!p1 $0x1082;
	[sflag:s4] =	ssyncset.s32 $0xFFFFF086  }
0x25: {  	[simem:s6], [sflag:s4] =	dma.local [hbm:s3], $0xF7A  }
0x26: {  	[smem:$0x3F9B] =	sst s1;
	(tag) =	ssettag s2;
	_ =	strace s9  }
0x27: {  	s1 =	sld [smem:$0x3FAB]  }
0x28: {  	s2 =	sld [smem:$0x3FAC]  }
0x29: {  	s4 =	sld [smem:$0x3FAE]  }
0x2a: {  	p0 =	seq.s32 s5, $0x0;
	s5 =	sld [smem:$0x3FAF]  }
0x2b: {  	s6 =	sld [smem:$0x3FB0]  }
0x2c: {  	s7 =	sld [smem:$0x3FB1]  }
0x2d: {  	s3 =	simm.s32 $0x108;
	s8 =	sld [smem:$0x3FB2]  }
0x2e: {  	s3 =	simm.s32 @!p0 $0x1082;
	s9 =	sld [smem:$0x3FB3]  }
0x2f: {  	lr =	sadd.s32 s0, s3;
	s0 =	sld [smem:$0x3FAA]  }
0x30: {  	s3 =	sld [smem:$0x3FAD]  }
0x31: {  	[smem:$0x3FB6] =	sst s10  }
0x32: {  	s10 =	sld [smem:$0x3FB4];
	_ =	sdelay $0x3  }
0x33: {  	p0 =	seq.s32 s10, $0x1;
	s10 =	sld [smem:$0x3FB6];
	_ =	sdelay $0x3  }
0x34: {  	[smem:$0x3FB6] =	sst s10  }
0x35: {  	s10 =	sld [smem:$0x3FB5];
	_ =	sdelay $0x3  }
0x36: {  	p1 =	seq.s32 s10, $0x1;
	s10 =	sld [smem:$0x3FB6];
	_ =	sdelay $0x3  }
0x37: {  	[smem:$0x3FB6] =	sst s10  }
0x38: {  	s10 =	sld [smem:$0x3FB7]  }
0x39: {  	_ = 	snop;
	(pc) =	sbr.ind lr, $3  }
0x3a: {  	_ = 	snop  }
0x3b: {  	_ = 	snop  }
0x3c: {  	p2 =	seq.s32 s10, $0x1;
	s10 =	sld [smem:$0x3FB6]  }
0x3d: {  	_ =	shalt  }
0x3e: {  	_ =	shalt  }
0x3f: {  	_ =	shalt  }
0x40: {  	_ =	shalt  }
0x41: {  	_ =	shalt  }
0x42: {  	_ =	shalt  }
0x43: {  	_ =	shalt  }
0x44: {  	_ =	shalt  }
0x45: {  	_ =	shalt  }
0x46: {  	_ =	shalt  }
0x47: {  	_ =	shalt  }
0x48: {  	_ =	shalt  }
0x49: {  	_ =	shalt  }
0x4a: {  	_ =	shalt  }
0x4b: {  	_ =	shalt  }
0x4c: {  	_ =	shalt  }
0x4d: {  	_ =	shalt  }
0x4e: {  	_ =	shalt  }
0x4f: {  	_ =	shalt  }
0x50: {  	_ =	shalt  }
0x51: {  	_ =	shalt  }
0x52: {  	_ =	shalt  }
0x53: {  	_ =	shalt  }
0x54: {  	_ =	shalt  }
0x55: {  	_ =	shalt  }
0x56: {  	_ =	shalt  }
0x57: {  	_ =	shalt  }
0x58: {  	_ =	shalt  }
0x59: {  	_ =	shalt  }
0x5a: {  	_ =	shalt  }
0x5b: {  	_ =	shalt  }
0x5c: {  	_ =	shalt  }
0x5d: {  	_ =	shalt  }
0x5e: {  	_ =	shalt  }
0x5f: {  	_ =	shalt  }
0x60: {  	_ =	shalt  }
0x61: {  	_ =	shalt  }
0x62: {  	_ =	shalt  }
0x63: {  	_ =	shalt  }
0x64: {  	_ =	shalt  }
0x65: {  	_ =	shalt  }
0x66: {  	_ =	shalt  }
0x67: {  	_ =	shalt  }
0x68: {  	_ =	shalt  }
0x69: {  	_ =	shalt  }
0x6a: {  	_ =	shalt  }
0x6b: {  	_ =	shalt  }
0x6c: {  	_ =	shalt  }
0x6d: {  	_ =	shalt  }
0x6e: {  	_ =	shalt  }
0x6f: {  	_ =	shalt  }
0x70: {  	_ =	shalt  }
0x71: {  	_ =	shalt  }
0x72: {  	_ =	shalt  }
0x73: {  	_ =	shalt  }
0x74: {  	_ =	shalt  }
0x75: {  	_ =	shalt  }
0x76: {  	_ =	shalt  }
0x77: {  	_ =	shalt  }
0x78: {  	_ =	shalt  }
0x79: {  	_ =	shalt  }
0x7a: {  	_ =	shalt  }
0x7b: {  	_ =	shalt  }
0x7c: {  	_ =	shalt  }
0x7d: {  	_ =	shalt  }
0x7e: {  	_ =	shalt  }
0x7f: {  	_ =	shalt  }
0x80: {  	_ =	shalt  }
0x81: {  	_ =	shalt  }
0x82: {  	_ =	shalt  }
0x83: {  	_ =	shalt  }
0x84: {  	_ =	shalt  }
0x85: {  	_ =	shalt  }
0x86: {  	_ =	shalt  }
0x87: {  	_ =	shalt  }
.Lfunc_end0:
.L_simem_size_0:
called_computation_lowered:
.L_overlay_start_0:
0x88: {  	s2 =	sld [smem:$0x3FD9]  }
0x89: {  	s3 =	sld [smem:$0x3FFE];
	_ =	sdelay $0x1  }
0x8a: {  	s1 =	srdreg.scid  }
0x8b: {  	s0 =	sand.u32 $0x1, s1  }
0x8c: {  	s14 =	sshll.u32 s0, $0xA;
	s2 =	sadd.s32 s3, s2  }
0x8d: {  	s2 =	sadd.s32 s2, s14  }
0x8e: {  	[smem:$0x3FC2] =	sst s2  }
0x8f: {  	_ = 	snop  }
0x90: {  	s2 =	sld [smem:$0x3FC7]  }
0x91: {  	s15 =	sld [smem:$0x3FD0]  }
0x92: {  	s4 =	sld [smem:$0x3FC6]  }
0x93: {  	s5 =	sld [smem:$0x3FC5]  }
0x94: {  	s7 =	simm.s32 $0xA;
	s8 =	simm.s32 $0x10;
	s6 =	sld [smem:$0x3FC4]  }
0x95: {  	[smem:s8], [sflag:s7] =	dma.local [hbm:s15], $0x1  }
0x96: {  	_ =	swait.eq [sflag:s7], $0x1  }
0x97: {  	[sflag:s7] =	ssyncset.done $0x0  }
0x98: {  	[sflag:s7] =	ssyncadd.s32 $0xFFFFFFFF  }
0x99: {  	s16 =	sld [smem:$0x11];
	(tm) =	ssettm $0x1  }
0x9a: {  	s17 =	sld [smem:$0x3FFB];
	_ =	sdelay $0x3  }
0x9b: {  	_ =	strace s17  }
0x9c: {  	s7 =	sld [smem:$0x3FFC];
	_ =	sdelay $0x3  }
0x9d: {  	_ =	strace s7  }
0x9e: {  	s7 =	sld [smem:$0x3FFD];
	_ =	sdelay $0x3  }
0x9f: {  	_ =	strace s7  }
0xa0: {  	_ =	strace $0x8FFFFFFF  }
0xa1: {  	s18 =	sld [smem:$0x3FDB];
	_ =	sdelay $0x1  }
0xa2: {  	s19 =	simm.s32 $_scs_section_size  }
0xa3: {  	s9 =	simm.s32 $_size__tile_overlayer_lowered;
	s10 =	simm.s32 $_tile_overlayer_lowered  }
0xa4: {  	s22 =	simm.s32 $0x1BFF;
	s21 =	sshll.u32 s10, $0x1;
	s7 =	sadd.s32 s19, s18  }
0xa5: {  	s11 =	simm.s32 $0x0;
	s20 =	sshll.u32 s9, $0x1;
	s9 =	sadd.s32 s21, s7  }
0xa6: {  	[timem:s11], [sflag:s22] =	dma.local [hbm:s9], s20  }
0xa7: {  	_ =	swait.ge [sflag:s22], s20  }
0xa8: {  	s8 =	ssub.s32 $0x0, s20;
	[sflag:s22] =	ssyncset.done $0x0  }
0xa9: {  	[sflag:s22] =	ssyncadd.s32 s8;
	_ =	sdelay $0x1  }
0xaa: {  	s23 =	simm.s32 $0x1B8B  }
0xab: {  	_ =	swait.ge [sflag:s23], $0x1  }
0xac: {  	[sflag:s23] =	ssyncset.done $0x0  }
0xad: {  	s25 =	simm.s32 $0x1B8E;
	s24 =	sld [smem:$0x3FFE];
	[sflag:s23] =	ssyncadd.s32 $0xFFFFFFFF  }
0xae: {  	s26 =	simm.s32 $execute0_lowered;
	[smem:$0x3FD2] =	sst s25  }
0xaf: {  	s9 =	sshll.u32 s26, $0x1;
	_ =	strace $0x80000046;
	[dreg:$0x1] =	wrdreg $0xFFFFFFFF  }
0xb0: {  	s28 =	simm.s32 $_size_execute0_lowered;
	s7 =	sadd.s32 s7, s9;
	[dreg:$0x0] =	wrdreg $0x0  }
0xb1: {  	s9 =	sshll.u32 s28, $0x1;
	[dreg:$0x2] =	wrdreg s7  }
0xb2: {  	[dreg:$0x3] =	wrdreg s9  }
0xb3: {  	[dreg:$0x4] =	wrdreg $0xC0  }
0xb4: {  	_ =	task [dreg:s11], $0x5FFFF  }
0xb5: {  	[dreg:$0x1] =	wrdreg $0xFFFFFFFF  }
0xb6: {  	[dreg:$0x0] =	wrdreg $0x60  }
0xb7: {  	[dreg:$0x2] =	wrdreg s16  }
0xb8: {  	[dreg:$0x3] =	wrdreg s5  }
0xb9: {  	[dreg:$0x4] =	wrdreg s6  }
0xba: {  	[dreg:$0x5] =	wrdreg s2  }
0xbb: {  	[dreg:$0x6] =	wrdreg s4  }
0xbc: {  	[dreg:$0x7] =	wrdreg s24  }
0xbd: {  	[dreg:$0x8] =	wrdreg $0x9  }
0xbe: {  	_ =	task.clear_ibuf [dreg:s11], $0x9FFFF;
	_ =	strace $0x90000046  }
0xbf: {  	s29 =	simm.s32 $0x9;
	_ =	strace $0x80000048  }
0xc0: {  	_ =	swait.ge [sflag:s29], $0x1  }
0xc1: {  	[sflag:s29] =	ssyncadd.s32 $0xFFFFFFFF  }
0xc2: {  	_ =	strace $0x90000048  }
0xc3: {  	_ =	sfence  }
0xc4: {  	s30 =	sld [smem:$0x0];
	_ =	sdelay $0x2  }
0xc5: {  	s31 =	sshll.u32 s1, $0xD;
	s1 =	sshrl.u32 s1, $0x2  }
0xc6: {  	s3 =	sand.u32 $0x4000, s31;
	s1 =	sadd.s32 s1, s30  }
0xc7: {  	s0 =	sor.u32 s3, s0;
	s1 =	sshll.u32 s1, $0x11  }
0xc8: {  	s0 =	sor.u32 s1, s0  }
0xc9: {  	s0 =	sadd.s32 $0x8F2B, s0  }
0xca: {  	[sflag:s0] =	ssyncadd.remote.s32 $0x1  }
0xcb: {  	_ =	sfence.sel $0xFFFF  }
0xcc: {  	[dreg:$0x0] =	wrdreg $0xFFFFFFFF;
	(pc) =	sbr.abs _section_cstart, $3  }
0xcd: {  	[dreg:$0x1] =	wrdreg $0xFFFFFFFF  }
0xce: {  	_ =	task.clear_ibuf [dreg:s11], $0x2FFFF;
	_ =	strace $0x9FFFFFFF  }
0xcf: {  	(tm) =	ssettm $0x7FFFFFFF  }
tec
execute0_lowered:
.L_overlay_start_1:
0x0: {  	(tag) =	ssettag $0x1  }
0x1: {  	s0 =	rddreg [dreg:$0x0]  }
0x2: {  	s1 =	rddreg [dreg:$0x1]  }
0x3: {  	s2 =	rddreg [dreg:$0x2]  }
0x4: {  	s3 =	rddreg [dreg:$0x5]  }
0x5: {  	s4 =	simm.s32 $0x0;
	s5 =	srdreg.scid;
	s8 =	stileid.u32  }
0x6: {  	s28 =	simm.s32 $0xA400;
	[smem:$0x7FF] =	sst s4;
	s5 =	sand.u32 $0x1, s5  }
0x7: {  	s6 =	sshll.u32 s8, $0x1;
	s7 =	sadd.s32 $0xC00, s3;
	s8 =	sshll.u32 s8, $0x8  }
0x8: {  	s24 =	sadd.s32 $0x3B78, s3;
	s25 =	sadd.s32 $0x6C4C, s3;
	s6 =	sor.u32 s5, s6  }
0x9: {  	_ =	strace $0x80000047;
	[dreg:$0xe] =	wrdreg s24;
	s10 =	smul.u32 $0xC40, s6  }
0xa: {  	s26 =	sadd.s32 $0x9D20, s3;
	[dreg:$0xf] =	wrdreg s25;
	p0 =	sne.s32 s6, $0x1F  }
0xb: {  	s5 =	ssub.s32 $0x2, s5;
	[dreg:$0x10] =	wrdreg s26;
	s10 =	simm.s32 @!p0 $0x17A60  }
0xc: {  	s25 =	simm.s32 $0x1;
	s9 =	sshll.u32 s6, $0x4;
	s16 =	sshrl.u32 s10, $0x3  }
0xd: {  	s26 =	simm.s32 $0x6400;
	s8 =	sor.u32 s8, s9;
	s1 =	sadd.s32 s1, s16  }
0xe: {  	s8 =	sand.u32 $0xC70, s8;
	s17 =	sadd.s32 s2, s16;
	[dreg:$0x7] =	wrdreg s1  }
0xf: {  	s8 =	sadd.s32 s8, s3;
	s19 =	sadd.s32 s0, s16;
	[dreg:$0x8] =	wrdreg s17  }
0x10: {  	s15 =	sshrl.u32 s5, $0x1;
	s22 =	sadd.s32 $0xA000, s8;
	[dreg:$0x9] =	wrdreg s19  }
0x11: {  	s18 =	sadd.s32 $0x30D4, s16;
	s23 =	sadd.s32 $0xB000, s8;
	[dreg:$0xc] =	wrdreg s22  }
0x12: {  	s21 =	sadd.s32 $0x61A8, s16;
	s29 =	sadd.s32 s7, s16;
	[dreg:$0xd] =	wrdreg s23  }
.Ltmp0:
0x13: {  	s20 =	sadd.s32 s0, s18;
	[dreg:$0x11] =	wrdreg s29;
	(pc) =	sbr.rel .LBB2_1-.Ltmp0, $4  }
0x14: {  	p1 =	seq.s32 s6, $0x1F;
	s0 =	sadd.s32 s0, s21;
	[dreg:$0xa] =	wrdreg s20  }
0x15: {  	s5 =	ssub.s32 s5, s15;
	s30 =	sadd.s32 s7, s18;
	[dreg:$0xb] =	wrdreg s0  }
0x16: {  	v1 =	vlaneseq.u32;
	s31 =	sadd.s32 s7, s21;
	s18 =	smax.u32 s5, $0x1;
	[dreg:$0x12] =	wrdreg s30  }
0x17: {  	v0 =	vimm.f32 $0.0e+00;
	vm0 =	vmxor vm0, vm0;
	v1 =	vmul.u32 $0x400, v1;
	s19 =	simm.s32 $0x80;
	[dreg:$0x13] =	wrdreg s31;
	s0 =	simm.s32 $0x0  }
.LBB2_17:
0x18: {  	s1 =	rddreg [dreg:$0xc];
	s2 =	simm.s32 $0x400;
	s3 =	simm.s32 $0xE400  }
0x19: {  	[hbm4b:s1+s19] =	stream.strided.scatter [tilespmem:s3], [sflag:$0x1], $0x400, s2, s19, $0x38;
	[tilespmem:$0xEC00] =	vst v63  }
0x1a: {  	s30 =	rddreg [dreg:$0xd];
	s31 =	simm.s32 $0xE800  }
0x1b: {  	[hbm4b:s30+s19] =	stream.strided.scatter [tilespmem:s31], [sflag:$0x1], $0x400, s2, s19, $0x38;
	[tilespmem:$0xEC00] =	vst v63  }
0x1c: {  	s1 =	simm.s32 @p1 $0x0;
	s3 =	rddreg [dreg:$0xe];
	s2 =	simm.s32 @p1 $0x4060  }
0x1d: {  	[hbm4b:s3+s1] =	stream.linear.scatter @p1 [tilespmem:s2], [sflag:$0x1], $0xAE0, $0x38;
	[tilespmem:$0xEC00] =	vst v63  }
0x1e: {  	s2 =	simm.s32 @p1 $0x4CA0;
	s3 =	rddreg [dreg:$0xf]  }
0x1f: {  	[hbm4b:s3+s1] =	stream.linear.scatter @p1 [tilespmem:s2], [sflag:$0x1], $0xAE0, $0x38;
	[tilespmem:$0xEC00] =	vst v63  }
0x20: {  	s2 =	simm.s32 @p1 $0x58E0;
	s3 =	rddreg [dreg:$0x10]  }
0x21: {  	[hbm4b:s3+s1] =	stream.linear.scatter @p1 [tilespmem:s2], [sflag:$0x1], $0xAE0, $0x38;
	[tilespmem:$0xEC00] =	vst v63  }
0x22: {  	s1 =	simm.s32 @p1 $0x1  }
0x23: {  	_ =	swait.ge @p1 [sflag:s1], $0xAE0  }
0x24: {  	[sflag:s1] =	ssyncset.done @p1 $0x0  }
0x25: {  	[sflag:s1] =	ssyncadd.s32 @p1 $0xFFFFF520  }
0x26: {  	_ =	swait.ge @p1 [sflag:s1], $0xAE0  }
0x27: {  	[sflag:s1] =	ssyncset.done @p1 $0x0  }
0x28: {  	[sflag:s1] =	ssyncadd.s32 @p1 $0xFFFFF520  }
0x29: {  	_ =	swait.ge @p1 [sflag:s1], $0xAE0  }
0x2a: {  	s2 =	simm.s32 @!p1 $0x3F00;
	[sflag:s1] =	ssyncset.done @p1 $0x0  }
0x2b: {  	s3 =	rddreg [dreg:$0x11];
	[sflag:s1] =	ssyncadd.s32 @p1 $0xFFFFF520;
	s1 =	simm.s32 @!p1 $0x0  }
0x2c: {  	[hbm4b:s3+s1] =	stream.linear.scatter @!p1 [tilespmem:s2], [sflag:$0x1], $0xC40, $0x38;
	[tilespmem:$0xEC00] =	vst v63  }
0x2d: {  	s2 =	simm.s32 @!p1 $0x4B40;
	s3 =	rddreg [dreg:$0x12]  }
0x2e: {  	[hbm4b:s3+s1] =	stream.linear.scatter @!p1 [tilespmem:s2], [sflag:$0x1], $0xC40, $0x38;
	[tilespmem:$0xEC00] =	vst v63  }
0x2f: {  	s2 =	simm.s32 @!p1 $0x5780;
	s3 =	rddreg [dreg:$0x13]  }
0x30: {  	[hbm4b:s3+s1] =	stream.linear.scatter @!p1 [tilespmem:s2], [sflag:$0x1], $0xC40, $0x38;
	[tilespmem:$0xEC00] =	vst v63  }
0x31: {  	s1 =	simm.s32 @!p1 $0x1  }
0x32: {  	_ =	swait.ge @!p1 [sflag:s1], $0xC40  }
0x33: {  	[sflag:s1] =	ssyncset.done @!p1 $0x0  }
0x34: {  	[sflag:s1] =	ssyncadd.s32 @!p1 $0xFFFFF3C0  }
0x35: {  	_ =	swait.ge @!p1 [sflag:s1], $0xC40  }
0x36: {  	[sflag:s1] =	ssyncset.done @!p1 $0x0  }
0x37: {  	[sflag:s1] =	ssyncadd.s32 @!p1 $0xFFFFF3C0  }
0x38: {  	_ =	swait.ge @!p1 [sflag:s1], $0xC40  }
0x39: {  	[sflag:s1] =	ssyncset.done @!p1 $0x0  }
0x3a: {  	s0 =	sadd.s32 $0x1, s0;
	[sflag:s1] =	ssyncadd.s32 @!p1 $0xFFFFF3C0  }
0x3b: {  	p2 =	sne.s32 s0, s18;
	_ =	swait.ge [sflag:s25], $0x400  }
.Ltmp1:
0x3c: {  	[sflag:s25] =	ssyncset.done $0x0;
	(pc) =	sbr.rel @!p2 .LBB2_18-.Ltmp1, $4  }
0x3d: {  	[sflag:s25] =	ssyncadd.s32 $0xFFFFFC00  }
0x3e: {  	_ =	swait.ge [sflag:s25], $0x400  }
0x3f: {  	[sflag:s25] =	ssyncset.done $0x0  }
0x40: {  	[sflag:s25] =	ssyncadd.s32 $0xFFFFFC00  }
.LBB2_1:
0x41: {  	s1 =	rddreg [dreg:$0x3]  }
0x42: {  	[tilespmem:s4], [sflag:$0x1] =	stream.linear.gather [hbm4b:s1+s4], $0x77, $0x38;
	[tilespmem:$0xEC00] =	vst v63  }
0x43: {  	s15 =	rddreg [dreg:$0x4]  }
0x44: {  	[tilespmem:s19], [sflag:$0x1] =	stream.linear.gather [hbm4b:s15+s4], $0x77, $0x38;
	[tilespmem:$0xEC00] =	vst v63  }
0x45: {  	s16 =	rddreg [dreg:$0x7];
	s2 =	simm.s32 $0x100  }
0x46: {  	[tilespmem:s2], [sflag:$0x1] =	stream.linear.gather [hbm4b:s16+s4], $0xC40, $0x38;
	[tilespmem:$0xEC00] =	vst v63  }
0x47: {  	s17 =	rddreg [dreg:$0x8];
	s20 =	simm.s32 $0xD80  }
0x48: {  	[tilespmem:s20], [sflag:$0x1] =	stream.linear.gather [hbm4b:s17+s4], $0xC40, $0x38;
	[tilespmem:$0xEC00] =	vst v63  }
0x49: {  	s21 =	rddreg [dreg:$0x9];
	s22 =	simm.s32 $0x1A00  }
0x4a: {  	[tilespmem:s22], [sflag:$0x1] =	stream.linear.gather [hbm4b:s21+s4], $0xC40, $0x38;
	[tilespmem:$0xEC00] =	vst v63  }
0x4b: {  	s23 =	rddreg [dreg:$0xa];
	s24 =	simm.s32 $0x2640  }
0x4c: {  	[tilespmem:s24], [sflag:$0x1] =	stream.linear.gather [hbm4b:s23+s4], $0xC40, $0x38;
	[tilespmem:$0xEC00] =	vst v63  }
0x4d: {  	s29 =	rddreg [dreg:$0xb];
	s30 =	simm.s32 $0x3280;
	s31 =	simm.s32 $0xE420  }
0x4e: {  	[tilespmem:s30], [sflag:$0x1] =	stream.linear.gather [hbm4b:s29+s4], $0xC40, $0x38;
	[tilespmem:$0xEC00] =	vst v63  }
0x4f: {  	[tilespmem:s31+$0xFFFFFFF0] =	vst v0  }
0x50: {  	[tilespmem:s31+$0x0] =	vst v0  }
0x51: {  	[tilespmem:s31+$0x10] =	vst v0  }
0x52: {  	s1 =	simm.s32 $0xE820;
	[tilespmem:s31+$0xFFFFFFE0] =	vst v0  }
0x53: {  	[tilespmem:s1+$0xFFFFFFF0] =	vst v0  }
0x54: {  	[tilespmem:s1+$0x0] =	vst v0  }
0x55: {  	[tilespmem:s1+$0x10] =	vst v0  }
0x56: {  	s3 =	simm.s32 $0xE460;
	s2 =	simm.s32 $0x0;
	[tilespmem:s1+$0xFFFFFFE0] =	vst v0  }
.LBB2_2:
0x57: {  	[tilespmem:s3+$0xFFFFFFF0] =	vst v0;
	s1 =	sadd.s32 $0x40, s1  }
0x58: {  	s2 =	sadd.s32 $0x4, s2;
	[tilespmem:s1+$0xFFFFFFF0] =	vst v0  }
0x59: {  	p2 =	slt.u32 s2, $0x3C;
	[tilespmem:s3+$0x0] =	vst v0  }
.Ltmp2:
0x5a: {  	[tilespmem:s1+$0x0] =	vst v0;
	(pc) =	sbr.rel @p2 .LBB2_2-.Ltmp2, $4  }
0x5b: {  	[tilespmem:s3+$0x10] =	vst v0  }
0x5c: {  	[tilespmem:s1+$0x10] =	vst v0  }
0x5d: {  	[tilespmem:s3+$0xFFFFFFE0] =	vst v0  }
0x5e: {  	s3 =	sadd.s32 $0x40, s3;
	[tilespmem:s1+$0xFFFFFFE0] =	vst v0  }
0x5f: {  	_ =	swait.ge [sflag:s25], $0x77  }
0x60: {  	[sflag:s25] =	ssyncset.done $0x0  }
0x61: {  	[sflag:s25] =	ssyncadd.s32 $0xFFFFFF89  }
0x62: {  	_ =	swait.ge [sflag:s25], $0x77  }
0x63: {  	[sflag:s25] =	ssyncset.done $0x0  }
0x64: {  	[sflag:s25] =	ssyncadd.s32 $0xFFFFFF89  }
0x65: {  	_ =	swait.ge [sflag:s25], $0xC40  }
0x66: {  	[sflag:s25] =	ssyncset.done $0x0  }
0x67: {  	[sflag:s25] =	ssyncadd.s32 $0xFFFFF3C0  }
0x68: {  	_ =	swait.ge [sflag:s25], $0xC40  }
0x69: {  	[sflag:s25] =	ssyncset.done $0x0  }
0x6a: {  	[sflag:s25] =	ssyncadd.s32 $0xFFFFF3C0  }
0x6b: {  	_ =	swait.ge [sflag:s25], $0xC40  }
0x6c: {  	[sflag:s25] =	ssyncset.done $0x0  }
0x6d: {  	[sflag:s25] =	ssyncadd.s32 $0xFFFFF3C0  }
0x6e: {  	_ =	swait.ge [sflag:s25], $0xC40  }
0x6f: {  	[sflag:s25] =	ssyncset.done $0x0  }
0x70: {  	[sflag:s25] =	ssyncadd.s32 $0xFFFFF3C0  }
0x71: {  	_ =	swait.ge [sflag:s25], $0xC40  }
0x72: {  	[sflag:s25] =	ssyncset.done $0x0  }
0x73: {  	[sflag:s25] =	ssyncadd.s32 $0xFFFFF3C0  }
0x74: {  	v2 =	vld [tilespmem:$0xD80]  }
0x75: {  	v3 =	vld [tilespmem:$0x19B0];
	_ =	sdelay $0x3  }
0x76: {  	v2 =	vxor.u32 $0x80000000, v2  }
0x77: {  	(xrf0) =	vmin.scan.msk.u32 $0xffff, v2;
	v2 =	vxor.u32 $0x80000000, v3  }
0x78: {  	(xrf0) =	vmax.scan.msk.u32 $0xffff, v2;
	_ =	sdelay $0x4  }
0x79: {  	v2, _, _ =	vpop (xrf0)  }
0x7a: {  	(v2sf) =	vpush v2, $0xF;
	v2, _, _ =	vpop (xrf0)  }
0x7b: {  	(v2sf) =	vpush v2, $0xF;
	_ =	sdelay $0xd  }
0x7c: {  	s1 =	spop (v2sf)  }
0x7d: {  	s2 =	sxor.u32 $0x80000000, s1;
	s3 =	spop (v2sf)  }
0x7e: {  	p3 =	sgt.s32 s1, $0xFFFFFFFF;
	s1 =	sand.u32 $0xF, s1;
	p2 =	slt.s32 s2, $0x1  }
0x7f: {  	s5 =	sshra.s32 s2, $0x1F;
	p4 =	sne.s32 s1, $0x0;
	s23 =	sxor.u32 $0x80000000, s3  }
0x80: {  	p2 =	por p3, p2;
	s5 =	sshrl.u32 s5, $0x1C;
	p5 =	slt.s32 s23, $0x1  }
0x81: {  	s24 =	sshra.s32 s23, $0x1F;
	p2 =	por !p4, !p2;
	p4 =	sgt.s32 s3, $0xFFFFFFFF  }
0x82: {  	s3 =	sand.u32 $0xF, s3;
	s2 =	sadd.s32 s5, s2;
	s5 =	simm.s32 $0x1  }
0x83: {  	p3 =	por p4, p5;
	p6 =	sne.s32 s3, $0x0;
	s6 =	sshra.s32 s2, $0x4  }
0x84: {  	p2 =	por !p2, !p2;
	s2 =	sshrl.u32 s24, $0x1C;
	p3 =	por !p6, !p3  }
0x85: {  	s3 =	simm.s32 $0x1;
	s1 =	sadd.s32 s2, s23;
	p3 =	por !p3, !p3  }
0x86: {  	s3 =	simm.s32 @!p2 $0x0;
	s2 =	sshra.s32 s1, $0x4;
	s5 =	simm.s32 @!p3 $0x0  }
0x87: {  	s1 =	ssub.s32 s6, s3;
	s20 =	ssub.s32 s2, s5  }
0x88: {  	s3 =	ssub.s32 s20, s1  }
0x89: {  	s5 =	sadd.s32 $0x1, s3  }
0x8a: {  	s7 =	sshrl.u32 s5, $0x1F  }
0x8b: {  	s7 =	sadd.s32 s7, s5  }
0x8c: {  	s8 =	simm.s32 $0xFFFFFFFF;
	s21 =	sand.u32 $0xFFFFFFFE, s7  }
0x8d: {  	s8 =	simm.s32 @!p2 $0x0;
	p2 =	slt.s32 s21, $0x1  }
.Ltmp3:
0x8e: {  	_ = 	snop;
	(pc) =	sbr.rel @p2 .LBB2_7-.Ltmp3, $3  }
0x8f: {  	_ =	sdelay $0x1  }
0x90: {  	s29 =	sshll.u32 s1, $0x6  }
0x91: {  	s30 =	sshll.u32 s6, $0x4;
	s22 =	sshll.u32 s8, $0x4;
	s31 =	sshra.s32 s29, $0x2  }
0x92: {  	s6 =	sadd.s32 $0x6410, s31  }
0x93: {  	[tilespmem:s6+$0x0] =	vst v0  }
0x94: {  	s7 =	sadd.s32 $0xA410, s31;
	s8 =	sadd.s32 s30, s22;
	[tilespmem:s6+$0xFFFFFFF0] =	vst v0  }
0x95: {  	s9 =	sadd.s32 $0x10, s8;
	[tilespmem:s7+$0x0] =	vst v0  }
0x96: {  	s9 =	sand.u32 $0xFFFFFFF0, s9;
	[tilespmem:s7+$0xFFFFFFF0] =	vst v0  }
0x97: {  	[tilespmem:s9+$0xE000] =	vst v0  }
0x98: {  	[tilespmem:s9+$0x6800] =	vst v0  }
0x99: {  	[tilespmem:s9+$0xA800] =	vst v0  }
0x9a: {  	[tilespmem:s9+$0x6C00] =	vst v0  }
0x9b: {  	[tilespmem:s9+$0xAC00] =	vst v0  }
0x9c: {  	[tilespmem:s9+$0x7000] =	vst v0  }
0x9d: {  	[tilespmem:s9+$0xB000] =	vst v0  }
0x9e: {  	[tilespmem:s9+$0x7400] =	vst v0  }
0x9f: {  	[tilespmem:s9+$0xB400] =	vst v0  }
0xa0: {  	[tilespmem:s9+$0x7800] =	vst v0  }
0xa1: {  	[tilespmem:s9+$0xB800] =	vst v0  }
0xa2: {  	[tilespmem:s9+$0x7C00] =	vst v0  }
0xa3: {  	[tilespmem:s9+$0xBC00] =	vst v0  }
0xa4: {  	[tilespmem:s9+$0x8000] =	vst v0  }
0xa5: {  	[tilespmem:s9+$0xC000] =	vst v0  }
0xa6: {  	[tilespmem:s9+$0x8400] =	vst v0  }
0xa7: {  	[tilespmem:s9+$0xC400] =	vst v0  }
0xa8: {  	[tilespmem:s9+$0x8800] =	vst v0  }
0xa9: {  	[tilespmem:s9+$0xC800] =	vst v0  }
0xaa: {  	[tilespmem:s9+$0x8C00] =	vst v0  }
0xab: {  	[tilespmem:s9+$0xCC00] =	vst v0  }
0xac: {  	[tilespmem:s9+$0x9000] =	vst v0  }
0xad: {  	[tilespmem:s9+$0xD000] =	vst v0  }
0xae: {  	[tilespmem:s9+$0x9400] =	vst v0  }
0xaf: {  	[tilespmem:s9+$0xD400] =	vst v0  }
0xb0: {  	[tilespmem:s9+$0x9800] =	vst v0  }
0xb1: {  	[tilespmem:s9+$0xD800] =	vst v0  }
0xb2: {  	[tilespmem:s9+$0x9C00] =	vst v0  }
0xb3: {  	[tilespmem:s9+$0xDC00] =	vst v0  }
0xb4: {  	s8 =	sand.u32 $0xFFFFFFF0, s8;
	[tilespmem:s9+$0xA000] =	vst v0  }
0xb5: {  	[tilespmem:s8+$0x6800] =	vst v0  }
0xb6: {  	[tilespmem:s8+$0xA800] =	vst v0  }
0xb7: {  	[tilespmem:s8+$0x6C00] =	vst v0  }
0xb8: {  	[tilespmem:s8+$0xAC00] =	vst v0  }
0xb9: {  	[tilespmem:s8+$0x7000] =	vst v0  }
0xba: {  	[tilespmem:s8+$0xB000] =	vst v0  }
0xbb: {  	[tilespmem:s8+$0x7400] =	vst v0  }
0xbc: {  	[tilespmem:s8+$0xB400] =	vst v0  }
0xbd: {  	[tilespmem:s8+$0x7800] =	vst v0  }
0xbe: {  	[tilespmem:s8+$0xB800] =	vst v0  }
0xbf: {  	[tilespmem:s8+$0x7C00] =	vst v0  }
0xc0: {  	[tilespmem:s8+$0xBC00] =	vst v0  }
0xc1: {  	[tilespmem:s8+$0x8000] =	vst v0  }
0xc2: {  	[tilespmem:s8+$0xC000] =	vst v0  }
0xc3: {  	[tilespmem:s8+$0x8400] =	vst v0  }
0xc4: {  	[tilespmem:s8+$0xC400] =	vst v0  }
0xc5: {  	[tilespmem:s8+$0x8800] =	vst v0  }
0xc6: {  	[tilespmem:s8+$0xC800] =	vst v0  }
0xc7: {  	[tilespmem:s8+$0x8C00] =	vst v0  }
0xc8: {  	[tilespmem:s8+$0xCC00] =	vst v0  }
0xc9: {  	[tilespmem:s8+$0x9000] =	vst v0  }
0xca: {  	[tilespmem:s8+$0xD000] =	vst v0  }
0xcb: {  	[tilespmem:s8+$0x9400] =	vst v0  }
0xcc: {  	p4 =	sgt.s32 s21, $0x2;
	[tilespmem:s8+$0xD400] =	vst v0  }
.Ltmp4:
0xcd: {  	[tilespmem:s8+$0x9800] =	vst v0;
	(pc) =	sbr.rel @!p4 .LBB2_6-.Ltmp4, $4  }
0xce: {  	[tilespmem:s8+$0xD800] =	vst v0  }
0xcf: {  	[tilespmem:s8+$0x9C00] =	vst v0  }
0xd0: {  	[tilespmem:s8+$0xDC00] =	vst v0  }
0xd1: {  	s10 =	sadd.s32 $0x20, s30;
	s9 =	simm.s32 $0x2;
	[tilespmem:s8+$0xA000] =	vst v0  }
.LBB2_5:
0xd2: {  	s11 =	sadd.s32 s10, s22;
	s9 =	sadd.s32 $0x2, s9;
	[tilespmem:s8+$0xE000] =	vst v0;
	s6 =	sadd.s32 $0x20, s6  }
0xd3: {  	s7 =	sadd.s32 $0x20, s7;
	s12 =	sadd.s32 $0x10, s11;
	[tilespmem:s6+$0x0] =	vst v0;
	p4 =	slt.s32 s9, s21  }
0xd4: {  	s8 =	sand.u32 $0xFFFFFFF0, s11;
	[tilespmem:s7+$0x0] =	vst v0;
	s11 =	sand.u32 $0xFFFFFFF0, s12  }
0xd5: {  	[tilespmem:s11+$0xE000] =	vst v0  }
0xd6: {  	[tilespmem:s11+$0x6800] =	vst v0  }
0xd7: {  	[tilespmem:s11+$0xA800] =	vst v0  }
0xd8: {  	[tilespmem:s11+$0x6C00] =	vst v0  }
0xd9: {  	[tilespmem:s11+$0xAC00] =	vst v0  }
0xda: {  	[tilespmem:s11+$0x7000] =	vst v0  }
0xdb: {  	[tilespmem:s11+$0xB000] =	vst v0  }
0xdc: {  	[tilespmem:s11+$0x7400] =	vst v0  }
0xdd: {  	[tilespmem:s11+$0xB400] =	vst v0  }
0xde: {  	[tilespmem:s11+$0x7800] =	vst v0  }
0xdf: {  	[tilespmem:s11+$0xB800] =	vst v0  }
0xe0: {  	[tilespmem:s11+$0x7C00] =	vst v0  }
0xe1: {  	[tilespmem:s11+$0xBC00] =	vst v0  }
0xe2: {  	[tilespmem:s11+$0x8000] =	vst v0  }
0xe3: {  	[tilespmem:s11+$0xC000] =	vst v0  }
0xe4: {  	[tilespmem:s11+$0x8400] =	vst v0  }
0xe5: {  	[tilespmem:s11+$0xC400] =	vst v0  }
0xe6: {  	[tilespmem:s11+$0x8800] =	vst v0  }
0xe7: {  	[tilespmem:s11+$0xC800] =	vst v0  }
0xe8: {  	[tilespmem:s11+$0x8C00] =	vst v0  }
0xe9: {  	[tilespmem:s11+$0xCC00] =	vst v0  }
0xea: {  	[tilespmem:s11+$0x9000] =	vst v0  }
0xeb: {  	[tilespmem:s11+$0xD000] =	vst v0  }
0xec: {  	[tilespmem:s11+$0x9400] =	vst v0  }
0xed: {  	[tilespmem:s11+$0xD400] =	vst v0  }
0xee: {  	[tilespmem:s11+$0x9800] =	vst v0  }
0xef: {  	[tilespmem:s11+$0xD800] =	vst v0  }
0xf0: {  	[tilespmem:s11+$0x9C00] =	vst v0  }
0xf1: {  	[tilespmem:s11+$0xDC00] =	vst v0  }
0xf2: {  	[tilespmem:s11+$0xA000] =	vst v0  }
0xf3: {  	[tilespmem:s6+$0xFFFFFFF0] =	vst v0  }
0xf4: {  	[tilespmem:s7+$0xFFFFFFF0] =	vst v0  }
0xf5: {  	[tilespmem:s8+$0x6800] =	vst v0  }
0xf6: {  	[tilespmem:s8+$0xA800] =	vst v0  }
0xf7: {  	[tilespmem:s8+$0x6C00] =	vst v0  }
0xf8: {  	[tilespmem:s8+$0xAC00] =	vst v0  }
0xf9: {  	[tilespmem:s8+$0x7000] =	vst v0  }
0xfa: {  	[tilespmem:s8+$0xB000] =	vst v0  }
0xfb: {  	[tilespmem:s8+$0x7400] =	vst v0  }
0xfc: {  	[tilespmem:s8+$0xB400] =	vst v0  }
0xfd: {  	[tilespmem:s8+$0x7800] =	vst v0  }
0xfe: {  	[tilespmem:s8+$0xB800] =	vst v0  }
0xff: {  	[tilespmem:s8+$0x7C00] =	vst v0  }
0x100: {  	[tilespmem:s8+$0xBC00] =	vst v0  }
0x101: {  	[tilespmem:s8+$0x8000] =	vst v0  }
0x102: {  	[tilespmem:s8+$0xC000] =	vst v0  }
0x103: {  	[tilespmem:s8+$0x8400] =	vst v0  }
0x104: {  	[tilespmem:s8+$0xC400] =	vst v0  }
0x105: {  	[tilespmem:s8+$0x8800] =	vst v0  }
0x106: {  	[tilespmem:s8+$0xC800] =	vst v0  }
0x107: {  	[tilespmem:s8+$0x8C00] =	vst v0  }
0x108: {  	[tilespmem:s8+$0xCC00] =	vst v0  }
0x109: {  	[tilespmem:s8+$0x9000] =	vst v0  }
0x10a: {  	[tilespmem:s8+$0xD000] =	vst v0  }
0x10b: {  	[tilespmem:s8+$0x9400] =	vst v0  }
0x10c: {  	[tilespmem:s8+$0xD400] =	vst v0  }
.Ltmp5:
0x10d: {  	[tilespmem:s8+$0x9800] =	vst v0;
	(pc) =	sbr.rel @p4 .LBB2_5-.Ltmp5, $4  }
0x10e: {  	[tilespmem:s8+$0xD800] =	vst v0  }
0x10f: {  	[tilespmem:s8+$0x9C00] =	vst v0  }
0x110: {  	[tilespmem:s8+$0xDC00] =	vst v0  }
0x111: {  	s10 =	sadd.s32 $0x20, s10;
	[tilespmem:s8+$0xA000] =	vst v0  }
.LBB2_6:
0x112: {  	[tilespmem:s8+$0xE000] =	vst v0  }
.LBB2_7:
0x113: {  	p4 =	sle.s32 s21, s3  }
.Ltmp6:
0x114: {  	_ = 	snop;
	(pc) =	sbr.rel @!p4 .LBB2_8-.Ltmp6, $3  }
0x115: {  	_ =	sdelay $0x1  }
0x116: {  	s23 =	simm.s32 $0xFFFFFFFF  }
0x117: {  	s24 =	ssub.s32 s5, s21;
	s23 =	simm.s32 @!p3 $0x0  }
0x118: {  	s5 =	sadd.s32 s23, s2;
	s6 =	sshll.u32 s20, $0x6;
	s7 =	sshll.u32 s24, $0x6  }
0x119: {  	s8 =	ssub.s32 s5, s24;
	s6 =	ssub.s32 s6, s7  }
0x11a: {  	s5 =	ssub.s32 s8, s1;
	s17 =	sshll.u32 s8, $0x4;
	s29 =	sshra.s32 s6, $0x2  }
0x11b: {  	s6 =	sadd.s32 $0x10, s17;
	s7 =	sadd.s32 $0x6410, s29;
	s8 =	sadd.s32 $0xA410, s29  }
.LBB2_20:
0x11c: {  	[tilespmem:s7+$0x0] =	vst v0  }
0x11d: {  	s9 =	sand.u32 $0xFFFFFFF0, s6;
	[tilespmem:s8+$0x0] =	vst v0  }
0x11e: {  	[tilespmem:s9+$0x6800] =	vst v0  }
0x11f: {  	[tilespmem:s9+$0xA800] =	vst v0  }
0x120: {  	[tilespmem:s9+$0x6C00] =	vst v0  }
0x121: {  	[tilespmem:s9+$0xAC00] =	vst v0  }
0x122: {  	[tilespmem:s9+$0x7000] =	vst v0  }
0x123: {  	[tilespmem:s9+$0xB000] =	vst v0  }
0x124: {  	[tilespmem:s9+$0x7400] =	vst v0  }
0x125: {  	[tilespmem:s9+$0xB400] =	vst v0  }
0x126: {  	[tilespmem:s9+$0x7800] =	vst v0  }
0x127: {  	[tilespmem:s9+$0xB800] =	vst v0  }
0x128: {  	[tilespmem:s9+$0x7C00] =	vst v0  }
0x129: {  	[tilespmem:s9+$0xBC00] =	vst v0  }
0x12a: {  	[tilespmem:s9+$0x8000] =	vst v0  }
0x12b: {  	[tilespmem:s9+$0xC000] =	vst v0  }
0x12c: {  	[tilespmem:s9+$0x8400] =	vst v0  }
0x12d: {  	[tilespmem:s9+$0xC400] =	vst v0  }
0x12e: {  	[tilespmem:s9+$0x8800] =	vst v0  }
0x12f: {  	[tilespmem:s9+$0xC800] =	vst v0  }
0x130: {  	[tilespmem:s9+$0x8C00] =	vst v0  }
0x131: {  	[tilespmem:s9+$0xCC00] =	vst v0  }
0x132: {  	[tilespmem:s9+$0x9000] =	vst v0  }
0x133: {  	[tilespmem:s9+$0xD000] =	vst v0  }
0x134: {  	[tilespmem:s9+$0x9400] =	vst v0  }
0x135: {  	s5 =	sadd.s32 $0x1, s5;
	[tilespmem:s9+$0xD400] =	vst v0  }
0x136: {  	p3 =	slt.s32 s5, s3;
	[tilespmem:s9+$0x9800] =	vst v0  }
.Ltmp7:
0x137: {  	[tilespmem:s9+$0xD800] =	vst v0;
	(pc) =	sbr.rel @p3 .LBB2_20-.Ltmp7, $4  }
0x138: {  	[tilespmem:s9+$0x9C00] =	vst v0  }
0x139: {  	[tilespmem:s9+$0xDC00] =	vst v0  }
0x13a: {  	[tilespmem:s9+$0xA000] =	vst v0  }
0x13b: {  	s6 =	sadd.s32 $0x10, s6;
	s7 =	sadd.s32 $0x10, s7;
	s8 =	sadd.s32 $0x10, s8;
	[tilespmem:s9+$0xE000] =	vst v0  }
.LBB2_8:
0x13c: {  	s9 =	simm.s32 $0x120  }
0x13d: {  	s8 =	simm.s32 $0xDA0;
	v2 =	vld [tilespmem:s9+$0x10]  }
0x13e: {  	v3 =	vld [tilespmem:s8+$0xFFFFFFE0]  }
0x13f: {  	v4 =	vld [tilespmem:s9+$0xFFFFFFF0]  }
0x140: {  	v5 =	vld [tilespmem:s8+$0xFFFFFFF0]  }
0x141: {  	v6 =	vld [tilespmem:s9+$0x0]  }
0x142: {  	v7 =	vld [tilespmem:s8+$0x10]  }
0x143: {  	v8 =	vld [tilespmem:s9+$0xFFFFFFE0]  }
0x144: {  	s10 =	simm.s32 $0x160;
	v9 =	vld [tilespmem:s8+$0x0]  }
0x145: {  	p3 =	por $0x0, $0x0;
	v17 =	vld [tilespmem:s10+$0x10]  }
0x146: {  	vm1 =	vmmov vm0;
	p3 =	por p0, p3;
	v10 =	vld.idx.msk [tilespmem:v2+s19+$0x0], $0xffff  }
0x147: {  	vm1 =	vmneg @p3 vm1;
	v2 =	vld.idx.msk [tilespmem:v2+s4+$0x0], $0xffff  }
0x148: {  	v7 =	vadd.s32 v1, v7;
	v11 =	vld.idx.msk [tilespmem:v4+s4+$0x0], $0xffff  }
0x149: {  	p4 =	por $0x0, $0x0;
	v4 =	vld.idx.msk [tilespmem:v4+s19+$0x0], $0xffff  }
0x14a: {  	vm2 =	vmmov vm0;
	p3 =	por p0, p4;
	p4 =	por $0x0, $0x0;
	v12 =	vld.idx.msk [tilespmem:v6+s19+$0x0], $0xffff  }
0x14b: {  	vm3 =	vmmov vm0;
	vm2 =	vmneg @p3 vm2;
	p3 =	por p0, p4;
	v6 =	vld.idx.msk [tilespmem:v6+s4+$0x0], $0xffff;
	(erf) = vrcp.f32 v10  }
0x14c: {  	vm3 =	vmneg @p3 vm3;
	v9 =	vadd.s32 v1, v9;
	v13 =	vld.idx.msk [tilespmem:v8+s19+$0x0], $0xffff  }
0x14d: {  	p5 =	por $0x0, $0x0;
	v5 =	vadd.s32 v1, v5;
	v10 =	vmul.f32 v10, v10;
	[tilespmem:v7+s26+$0x0] =	vst.idx.add.f32.msk vm1, v2  }
0x14e: {  	vm4 =	vmmov vm0;
	p3 =	por p0, p5;
	v2 =	vld.idx.msk [tilespmem:v8+s4+$0x0], $0xffff  }
0x14f: {  	s7 =	simm.s32 $0x2650;
	vm4 =	vmneg @p3 vm4;
	[tilespmem:v7+s28+$0x0] =	vst.idx.add.f32.msk vm1, v10  }
0x150: {  	v3 =	vadd.s32 v1, v3;
	(erf) = vrcp.f32 v4;
	v8 =	vld [tilespmem:s7+$0xFFFFF3E0]  }
0x151: {  	[tilespmem:v9+s26+$0x0] =	vst.idx.add.f32.msk vm2, v6;
	v7 =	vmul.f32 v12, v12;
	(erf) = vrcp.f32 v12  }
0x152: {  	[tilespmem:v5+s26+$0x0] =	vst.idx.add.f32.msk vm3, v11;
	(erf) = vrcp.f32 v13  }
0x153: {  	[tilespmem:v9+s28+$0x0] =	vst.idx.add.f32.msk vm2, v7  }
0x154: {  	v6 =	vmul.f32 v13, v13;
	v7 =	vld [tilespmem:s7+$0xFFFFF3D0];
	v12 =	vpop (erf)  }
0x155: {  	[tilespmem:v3+s26+$0x0] =	vst.idx.add.f32.msk vm4, v2;
	v2 =	vmul.f32 v8, v12  }
0x156: {  	[tilespmem:v3+s28+$0x0] =	vst.idx.add.f32.msk vm4, v6;
	v3 =	vmul.f32 v4, v4  }
0x157: {  	v8 =	vld [tilespmem:s7+$0xFFFFF3B0]  }
0x158: {  	s5 =	simm.s32 $0x4B50;
	[tilespmem:v5+s28+$0x0] =	vst.idx.add.f32.msk vm3, v3  }
0x159: {  	v10 =	vld [tilespmem:s7+$0xFFFFF3C0];
	[tilespmem:s5+$0xFFFFF3E0] =	vst v2;
	v2 =	vpop (erf)  }
0x15a: {  	v14 =	vld [tilespmem:s10+$0xFFFFFFF0];
	v3 =	vpop (erf)  }
0x15b: {  	v15 =	vld [tilespmem:s10+$0x0];
	v11 =	vmul.f32 v7, v3;
	v4 =	vpop (erf)  }
0x15c: {  	s9 =	simm.s32 $0xDE0;
	v9 =	vld [tilespmem:s7+$0x20];
	v8 =	vmul.f32 v8, v4  }
0x15d: {  	v13 =	vld [tilespmem:s9+$0x10];
	[tilespmem:s5+$0xFFFFF3D0] =	vst v11  }
0x15e: {  	[tilespmem:s5+$0xFFFFF3B0] =	vst v8;
	v8 =	vmul.f32 v10, v2;
	v10 =	vld [tilespmem:s7+$0x10]  }
0x15f: {  	v11 =	vld [tilespmem:s7+$0xFFFFFFF0]  }
0x160: {  	v6 =	vld [tilespmem:s9+$0xFFFFFFF0]  }
0x161: {  	v5 =	vld [tilespmem:s9+$0xFFFFFFE0];
	v9 =	vmul.f32 v9, v12;
	[tilespmem:s5+$0xFFFFF3C0] =	vst v8  }
0x162: {  	v16 =	vld [tilespmem:s7+$0x0]  }
0x163: {  	s6 =	simm.s32 $0x30;
	v7 =	vld [tilespmem:s9+$0x0];
	[tilespmem:s5+$0x20] =	vst v9;
	v9 =	vmul.f32 v10, v3  }
0x164: {  	s17 =	simm.s32 $0x20;
	s11 =	sand.u32 $0xFF0, s6;
	v8 =	vld [tilespmem:s10+$0xFFFFFFE0];
	v10 =	vmul.f32 v11, v4  }
0x165: {  	s13 =	sand.u32 $0xFE0, s17;
	v18 =	vld [tilespmem:s11+$0x3280];
	[tilespmem:s5+$0x10] =	vst v9  }
0x166: {  	s12 =	simm.s32 $0x0;
	[tilespmem:s5+$0xFFFFFFF0] =	vst v10;
	v10 =	vld [tilespmem:s13+$0x3280]  }
0x167: {  	s12 =	sand.u32 $0xFC0, s12;
	v9 =	vmul.f32 v16, v2;
	v16 =	vld.idx.msk [tilespmem:v17+s19+$0x0], $0xffff  }
0x168: {  	p6 =	por $0x0, $0x0;
	v11 =	vld [tilespmem:s12+$0x3280]  }
0x169: {  	s29 =	simm.s32 $0x4;
	p3 =	por p0, p6;
	vm1 =	vmmov vm0;
	v17 =	vld.idx.msk [tilespmem:v17+s4+$0x0], $0xffff;
	[tilespmem:s5+$0x0] =	vst v9  }
0x16a: {  	s14 =	simm.s32 $0x8;
	s8 =	simm.s32 $0x2690;
	vm1 =	vmneg @p3 vm1;
	v13 =	vadd.s32 v1, v13;
	v12 =	vmul.f32 v18, v12;
	v9 =	vld [tilespmem:s7+$0xC40];
	s7 =	simm.s32 $0x4B90  }
.LBB2_9:
0x16b: {  	s16 =	sadd.s32 $0x2, s29  }
0x16c: {  	v18 =	vld.idx.msk [tilespmem:v14+s4+$0x0], $0xffff;
	s6 =	sadd.s32 $0x40, s6;
	s17 =	smov.u32 s14;
	s15 =	sadd.s32 $0x4, s14  }
0x16d: {  	p3 =	slt.u32 s14, $0xC0;
	v3 =	vmul.f32 v10, v3;
	v14 =	vld.idx.msk [tilespmem:v14+s19+$0x0], $0xffff;
	p4 =	sgt.u32 s16, $0x15;
	v4 =	vmul.f32 v11, v4  }
0x16e: {  	vm3 =	vmmov vm0;
	v10 =	vld.idx.msk [tilespmem:v15+s19+$0x0], $0xffff;
	p4 =	por p0, p4;
	[tilespmem:s11+$0x5780] =	vst v12  }
0x16f: {  	p5 =	sgt.u32 s29, $0x14;
	v12 =	vmul.f32 v16, v16;
	v11 =	vld.idx.msk [tilespmem:v15+s4+$0x0], $0xffff;
	vm3 =	vmneg @p4 vm3;
	(erf) = vrcp.f32 v16;
	[tilespmem:s13+$0x5780] =	vst v3  }
0x170: {  	v7 =	vadd.s32 v1, v7;
	vm2 =	vmmov vm0;
	p4 =	por p0, p5;
	v2 =	vmul.f32 v9, v2;
	v3 =	vld.idx.msk [tilespmem:v8+s19+$0x0], $0xffff;
	[tilespmem:s12+$0x5780] =	vst v4  }
0x171: {  	p5 =	sgt.u32 s29, $0x15;
	s29 =	smov.u32 s17;
	vm2 =	vmneg @p4 vm2;
	[tilespmem:v13+s26+$0x0] =	vst.idx.add.f32.msk vm1, v17  }
0x172: {  	v6 =	vadd.s32 v1, v6;
	vm4 =	vmmov vm0;
	p4 =	por p0, p5;
	v4 =	vld.idx.msk [tilespmem:v8+s4+$0x0], $0xffff;
	[tilespmem:s5+$0xC40] =	vst v2;
	s5 =	smov.u32 s7  }
0x173: {  	vm4 =	vmneg @p4 vm4;
	[tilespmem:v13+s28+$0x0] =	vst.idx.add.f32.msk vm1, v12;
	(erf) = vrcp.f32 v14  }
0x174: {  	v2 =	vadd.s32 v1, v5;
	v5 =	vmul.f32 v14, v14;
	v8 =	vmul.f32 v10, v10;
	v9 =	vld [tilespmem:s8+$0xFFFFF3E0]  }
0x175: {  	[tilespmem:v7+s26+$0x0] =	vst.idx.add.f32.msk vm3, v11  }
0x176: {  	v11 =	vmul.f32 v3, v3;
	[tilespmem:v7+s28+$0x0] =	vst.idx.add.f32.msk vm3, v8;
	(erf) = vrcp.f32 v10  }
0x177: {  	[tilespmem:v6+s26+$0x0] =	vst.idx.add.f32.msk vm2, v18;
	(erf) = vrcp.f32 v3  }
0x178: {  	v7 =	vld [tilespmem:s8+$0xFFFFF3D0];
	v12 =	vpop (erf)  }
0x179: {  	[tilespmem:v2+s26+$0x0] =	vst.idx.add.f32.msk vm4, v4;
	v3 =	vmul.f32 v9, v12  }
0x17a: {  	[tilespmem:v2+s28+$0x0] =	vst.idx.add.f32.msk vm4, v11  }
0x17b: {  	v8 =	vld [tilespmem:s8+$0xFFFFF3B0];
	[tilespmem:s7+$0xFFFFF3E0] =	vst v3  }
0x17c: {  	v9 =	vld [tilespmem:s8+$0x20];
	v2 =	vpop (erf)  }
0x17d: {  	[tilespmem:v6+s28+$0x0] =	vst.idx.add.f32.msk vm2, v5  }
0x17e: {  	s9 =	sadd.s32 $0x40, s9;
	v10 =	vld [tilespmem:s8+$0xFFFFF3C0]  }
0x17f: {  	v5 =	vld [tilespmem:s9+$0xFFFFFFE0];
	v3 =	vpop (erf)  }
0x180: {  	v6 =	vld [tilespmem:s9+$0xFFFFFFF0];
	v11 =	vmul.f32 v7, v3;
	v4 =	vpop (erf)  }
0x181: {  	v7 =	vld [tilespmem:s9+$0x0];
	v8 =	vmul.f32 v8, v4;
	v9 =	vmul.f32 v9, v12  }
0x182: {  	s10 =	sadd.s32 $0x40, s10;
	v13 =	vld [tilespmem:s9+$0x10];
	[tilespmem:s7+$0xFFFFF3D0] =	vst v11  }
0x183: {  	[tilespmem:s7+$0xFFFFF3B0] =	vst v8;
	v8 =	vmul.f32 v10, v2;
	v10 =	vld [tilespmem:s8+$0x10]  }
0x184: {  	v11 =	vld [tilespmem:s8+$0xFFFFFFF0];
	[tilespmem:s7+$0x20] =	vst v9  }
0x185: {  	v17 =	vld [tilespmem:s10+$0x10];
	[tilespmem:s7+$0xFFFFF3C0] =	vst v8  }
0x186: {  	v9 =	vld [tilespmem:s8+$0x0]  }
0x187: {  	v8 =	vld [tilespmem:s10+$0xFFFFFFE0];
	v13 =	vadd.s32 v1, v13  }
0x188: {  	s11 =	sand.u32 $0xFF0, s6;
	v14 =	vld [tilespmem:s10+$0xFFFFFFF0];
	v10 =	vmul.f32 v10, v3  }
0x189: {  	s12 =	sadd.s32 $0xFFFFFFF0, s6;
	v11 =	vmul.f32 v11, v4;
	v18 =	vld [tilespmem:s11+$0x3280]  }
0x18a: {  	s14 =	sadd.s32 $0xFFFFFFD0, s6;
	s13 =	sand.u32 $0xFE0, s12;
	v15 =	vld [tilespmem:s10+$0x0];
	[tilespmem:s7+$0x10] =	vst v10  }
.Ltmp8:
0x18b: {  	s12 =	sand.u32 $0xFC0, s14;
	[tilespmem:s7+$0xFFFFFFF0] =	vst v11;
	v9 =	vmul.f32 v9, v2;
	v10 =	vld [tilespmem:s13+$0x3280];
	(pc) =	sbr.rel @p3 .LBB2_9-.Ltmp8, $4  }
0x18c: {  	s14 =	sadd.s32 $0x3, s29;
	v11 =	vld [tilespmem:s12+$0x3280]  }
0x18d: {  	p4 =	sgt.u32 s14, $0x15;
	v16 =	vld.idx.msk [tilespmem:v17+s19+$0x0], $0xffff;
	[tilespmem:s7+$0x0] =	vst v9  }
0x18e: {  	p4 =	por p0, p4;
	vm1 =	vmmov vm0;
	v9 =	vld [tilespmem:s8+$0xC40];
	v12 =	vmul.f32 v18, v12  }
0x18f: {  	s14 =	smov.u32 s15;
	vm1 =	vmneg @p4 vm1;
	s7 =	sadd.s32 $0x40, s7;
	s8 =	sadd.s32 $0x40, s8;
	v17 =	vld.idx.msk [tilespmem:v17+s4+$0x0], $0xffff  }
0x190: {  	_ =	sdelay $0x3  }
0x191: {  	s9 =	sadd.s32 $0x2, s29;
	v18 =	vld.idx.msk [tilespmem:v15+s19+$0x0], $0xffff  }
0x192: {  	v43 =	vld.idx.msk [tilespmem:v15+s4+$0x0], $0xffff;
	p3 =	sgt.u32 s9, $0x15  }
0x193: {  	vm2 =	vmmov vm0;
	v44 =	vld.idx.msk [tilespmem:v14+s19+$0x0], $0xffff;
	p3 =	por p0, p3  }
0x194: {  	v45 =	vld.idx.msk [tilespmem:v14+s4+$0x0], $0xffff;
	v42 =	vmul.f32 v16, v16;
	vm2 =	vmneg @p3 vm2  }
0x195: {  	v7 =	vadd.s32 v1, v7;
	p6 =	sgt.u32 s29, $0x14;
	[tilespmem:v13+s26+$0x0] =	vst.idx.add.f32.msk vm1, v17  }
0x196: {  	p4 =	sgt.u32 s29, $0x15;
	p3 =	por p0, p6;
	[tilespmem:v13+s28+$0x0] =	vst.idx.add.f32.msk vm1, v42;
	vm1 =	vmmov vm0  }
0x197: {  	v46 =	vld.idx.msk [tilespmem:v8+s19+$0x0], $0xffff;
	vm3 =	vmmov vm0;
	vm1 =	vmneg @p3 vm1;
	p3 =	por p0, p4  }
0x198: {  	v6 =	vadd.s32 v1, v6;
	v48 =	vld.idx.msk [tilespmem:v8+s4+$0x0], $0xffff;
	(erf) = vrcp.f32 v16;
	vm3 =	vmneg @p3 vm3  }
0x199: {  	v5 =	vadd.s32 v1, v5;
	v47 =	vmul.f32 v18, v18;
	(erf) = vrcp.f32 v44;
	v49 =	vld [tilespmem:s8+$0xFFFFF3E0]  }
0x19a: {  	(erf) = vrcp.f32 v18;
	[tilespmem:v7+s26+$0x0] =	vst.idx.add.f32.msk vm2, v43  }
0x19b: {  	[tilespmem:v7+s28+$0x0] =	vst.idx.add.f32.msk vm2, v47  }
0x19c: {  	v15 =	vld [tilespmem:s8+$0xFFFFF3D0]  }
0x19d: {  	v51 =	vmul.f32 v44, v44;
	(erf) = vrcp.f32 v46;
	[tilespmem:v6+s26+$0x0] =	vst.idx.add.f32.msk vm1, v45  }
0x19e: {  	v50 =	vmul.f32 v46, v46;
	[tilespmem:v5+s26+$0x0] =	vst.idx.add.f32.msk vm3, v48  }
0x19f: {  	[tilespmem:v6+s28+$0x0] =	vst.idx.add.f32.msk vm1, v51  }
0x1a0: {  	[tilespmem:v5+s28+$0x0] =	vst.idx.add.f32.msk vm3, v50  }
0x1a1: {  	v52 =	vpop (erf);
	v8 =	vld [tilespmem:s8+$0xFFFFF3C0]  }
0x1a2: {  	v53 =	vpop (erf);
	v5 =	vld [tilespmem:s8+$0xFFFFF3B0]  }
0x1a3: {  	v54 =	vpop (erf)  }
0x1a4: {  	v15 =	vmul.f32 v15, v54  }
0x1a5: {  	v7 =	vmul.f32 v49, v52  }
0x1a6: {  	v55 =	vpop (erf);
	[tilespmem:s7+$0xFFFFF3D0] =	vst v15;
	v8 =	vmul.f32 v8, v53  }
0x1a7: {  	[tilespmem:s7+$0xFFFFF3E0] =	vst v7;
	v56 =	vld [tilespmem:s8+$0x10];
	v5 =	vmul.f32 v5, v55  }
0x1a8: {  	v7 =	vld [tilespmem:s8+$0x20];
	[tilespmem:s7+$0xFFFFF3C0] =	vst v8  }
0x1a9: {  	[tilespmem:s7+$0xFFFFF3B0] =	vst v5;
	v8 =	vld [tilespmem:s8+$0x0]  }
0x1aa: {  	v57 =	vld [tilespmem:s8+$0xFFFFFFF0];
	_ =	sdelay $0x1  }
0x1ab: {  	s6 =	sadd.s32 $0x40, s6;
	v5 =	vmul.f32 v56, v54  }
0x1ac: {  	s10 =	sadd.s32 $0xFFFFFFF0, s6;
	v7 =	vmul.f32 v7, v52  }
0x1ad: {  	s10 =	sand.u32 $0xFE0, s10;
	[tilespmem:s7+$0x10] =	vst v5;
	v60 =	vmul.f32 v8, v53  }
0x1ae: {  	s29 =	sand.u32 $0xFF0, s6;
	[tilespmem:s7+$0x20] =	vst v7;
	v61 =	vld [tilespmem:s10+$0x3280];
	v58 =	vmul.f32 v57, v55  }
0x1af: {  	s6 =	sadd.s32 $0xFFFFFFD0, s6;
	v59 =	vld [tilespmem:s29+$0x3280];
	[tilespmem:s7+$0x0] =	vst v60  }
0x1b0: {  	v3 =	vmul.f32 v10, v3;
	s6 =	sand.u32 $0xFC0, s6;
	[tilespmem:s7+$0xFFFFFFF0] =	vst v58;
	v5 =	vld [tilespmem:s8+$0xC40]  }
0x1b1: {  	[tilespmem:s11+$0x5780] =	vst v12;
	v2 =	vmul.f32 v9, v2;
	v62 =	vld [tilespmem:s6+$0x3280]  }
0x1b2: {  	v4 =	vmul.f32 v11, v4;
	[tilespmem:s13+$0x5780] =	vst v3  }
0x1b3: {  	[tilespmem:s5+$0xC40] =	vst v2;
	v2 =	vmul.f32 v61, v54  }
.Ltmp9:
0x1b4: {  	[tilespmem:s12+$0x5780] =	vst v4;
	v3 =	vmul.f32 v59, v52;
	(pc) =	sbr.rel @p2 .LBB2_14-.Ltmp9, $4  }
0x1b5: {  	[tilespmem:s10+$0x5780] =	vst v2;
	v2 =	vmul.f32 v5, v53  }
0x1b6: {  	[tilespmem:s29+$0x5780] =	vst v3;
	v63 =	vmul.f32 v62, v55  }
0x1b7: {  	[tilespmem:s7+$0xC40] =	vst v2  }
0x1b8: {  	[tilespmem:s6+$0x5780] =	vst v63  }
0x1b9: {  	s6 =	sadd.s32 $0x6410, s31  }
0x1ba: {  	s7 =	sadd.s32 $0xA410, s31;
	s8 =	sadd.s32 s30, s22;
	v2 =	vld [tilespmem:s6+$0x0]  }
0x1bb: {  	s9 =	sadd.s32 $0x10, s8;
	v3 =	vld [tilespmem:s7+$0x0];
	s8 =	sand.u32 $0xFFFFFFF0, s8  }
0x1bc: {  	v59 =	vld [tilespmem:s8+$0xB000]  }
0x1bd: {  	v60 =	vld [tilespmem:s8+$0xBC00]  }
0x1be: {  	s9 =	sand.u32 $0xFFFFFFF0, s9;
	v61 =	vld [tilespmem:s8+$0xC800]  }
0x1bf: {  	v4 =	vld [tilespmem:s9+$0x6800]  }
0x1c0: {  	v5 =	vld [tilespmem:s9+$0xA800]  }
0x1c1: {  	v6 =	vld [tilespmem:s9+$0x6C00]  }
0x1c2: {  	v7 =	vld [tilespmem:s9+$0xAC00]  }
0x1c3: {  	v8 =	vld [tilespmem:s9+$0x7000]  }
0x1c4: {  	v9 =	vld [tilespmem:s9+$0xB000]  }
0x1c5: {  	v10 =	vld [tilespmem:s9+$0x7400]  }
0x1c6: {  	v11 =	vld [tilespmem:s9+$0xB400]  }
0x1c7: {  	v12 =	vld [tilespmem:s9+$0x7800]  }
0x1c8: {  	v13 =	vld [tilespmem:s9+$0xB800]  }
0x1c9: {  	v14 =	vld [tilespmem:s9+$0x7C00]  }
0x1ca: {  	v15 =	vld [tilespmem:s9+$0xBC00]  }
0x1cb: {  	v16 =	vld [tilespmem:s9+$0x8000]  }
0x1cc: {  	v17 =	vld [tilespmem:s9+$0xC000]  }
0x1cd: {  	v18 =	vld [tilespmem:s9+$0x8400]  }
0x1ce: {  	v19 =	vld [tilespmem:s9+$0xC400]  }
0x1cf: {  	v20 =	vld [tilespmem:s9+$0x8800]  }
0x1d0: {  	v21 =	vld [tilespmem:s9+$0xC800]  }
0x1d1: {  	v22 =	vld [tilespmem:s9+$0x8C00]  }
0x1d2: {  	v23 =	vld [tilespmem:s9+$0xCC00]  }
0x1d3: {  	v24 =	vld [tilespmem:s9+$0x9000]  }
0x1d4: {  	v25 =	vld [tilespmem:s9+$0xD000]  }
0x1d5: {  	v26 =	vld [tilespmem:s9+$0x9400]  }
0x1d6: {  	v27 =	vld [tilespmem:s9+$0xD400]  }
0x1d7: {  	v28 =	vld [tilespmem:s9+$0x9800]  }
0x1d8: {  	v29 =	vld [tilespmem:s9+$0xD800];
	v2 =	vadd.f32 v4, v2  }
0x1d9: {  	v3 =	vadd.f32 v5, v3;
	v5 =	vld [tilespmem:s8+$0x6800]  }
0x1da: {  	v2 =	vadd.f32 v6, v2;
	v6 =	vld [tilespmem:s8+$0xA800]  }
0x1db: {  	v3 =	vadd.f32 v7, v3;
	v7 =	vld [tilespmem:s6+$0xFFFFFFF0]  }
0x1dc: {  	v2 =	vadd.f32 v8, v2;
	v8 =	vld [tilespmem:s7+$0xFFFFFFF0]  }
0x1dd: {  	v3 =	vadd.f32 v9, v3;
	v9 =	vld [tilespmem:s8+$0x6C00]  }
0x1de: {  	v2 =	vadd.f32 v10, v2;
	v10 =	vld [tilespmem:s8+$0xAC00]  }
0x1df: {  	v3 =	vadd.f32 v11, v3;
	v11 =	vld [tilespmem:s8+$0x7000]  }
0x1e0: {  	v30 =	vld [tilespmem:s9+$0x9C00];
	v5 =	vadd.f32 v5, v7  }
0x1e1: {  	v7 =	vld [tilespmem:s8+$0x7400];
	v2 =	vadd.f32 v12, v2;
	v3 =	vadd.f32 v13, v3  }
0x1e2: {  	v6 =	vadd.f32 v6, v8;
	v8 =	vld [tilespmem:s8+$0xB400];
	v5 =	vadd.f32 v9, v5  }
0x1e3: {  	v9 =	vld [tilespmem:s8+$0x7800];
	v2 =	vadd.f32 v14, v2;
	v3 =	vadd.f32 v15, v3  }
0x1e4: {  	v6 =	vadd.f32 v10, v6;
	v10 =	vld [tilespmem:s8+$0xB800];
	v5 =	vadd.f32 v11, v5  }
0x1e5: {  	v11 =	vld [tilespmem:s8+$0x7C00];
	v2 =	vadd.f32 v16, v2;
	v3 =	vadd.f32 v17, v3  }
0x1e6: {  	v31 =	vld [tilespmem:s9+$0xDC00];
	v6 =	vadd.f32 v59, v6;
	v5 =	vadd.f32 v7, v5  }
0x1e7: {  	v7 =	vld [tilespmem:s8+$0x8000];
	v2 =	vadd.f32 v18, v2;
	v3 =	vadd.f32 v19, v3  }
0x1e8: {  	v6 =	vadd.f32 v8, v6;
	v8 =	vld [tilespmem:s8+$0xC000];
	v5 =	vadd.f32 v9, v5  }
0x1e9: {  	v9 =	vld [tilespmem:s8+$0x8400];
	v2 =	vadd.f32 v20, v2;
	v3 =	vadd.f32 v21, v3  }
0x1ea: {  	v6 =	vadd.f32 v10, v6;
	v10 =	vld [tilespmem:s8+$0xC400];
	v5 =	vadd.f32 v11, v5  }
0x1eb: {  	v11 =	vld [tilespmem:s8+$0x8800];
	v2 =	vadd.f32 v22, v2;
	v3 =	vadd.f32 v23, v3  }
0x1ec: {  	v32 =	vld [tilespmem:s9+$0xA000];
	v6 =	vadd.f32 v60, v6;
	v5 =	vadd.f32 v7, v5  }
0x1ed: {  	v7 =	vld [tilespmem:s8+$0x8C00];
	v2 =	vadd.f32 v24, v2;
	v3 =	vadd.f32 v25, v3  }
0x1ee: {  	v6 =	vadd.f32 v8, v6;
	v8 =	vld [tilespmem:s8+$0xCC00];
	v5 =	vadd.f32 v9, v5  }
0x1ef: {  	v9 =	vld [tilespmem:s8+$0x9000];
	v2 =	vadd.f32 v26, v2;
	v3 =	vadd.f32 v27, v3  }
0x1f0: {  	v4 =	vld [tilespmem:s9+$0xE000];
	v6 =	vadd.f32 v10, v6;
	v5 =	vadd.f32 v11, v5  }
0x1f1: {  	v10 =	vld [tilespmem:s8+$0xD000];
	v2 =	vadd.f32 v28, v2;
	v3 =	vadd.f32 v29, v3  }
0x1f2: {  	v11 =	vld [tilespmem:s8+$0x9400];
	v6 =	vadd.f32 v61, v6;
	v7 =	vadd.f32 v7, v5  }
0x1f3: {  	p2 =	sgt.s32 s21, $0x2;
	v62 =	vld [tilespmem:s8+$0xD400];
	v2 =	vadd.f32 v30, v2;
	v3 =	vadd.f32 v31, v3  }
.Ltmp10:
0x1f4: {  	v5 =	vld [tilespmem:s8+$0x9800];
	v6 =	vadd.f32 v8, v6;
	v7 =	vadd.f32 v9, v7;
	(pc) =	sbr.rel @!p2 .LBB2_13-.Ltmp10, $4  }
0x1f5: {  	v8 =	vadd.f32 v32, v2;
	v63 =	vadd.f32 v4, v3;
	v3 =	vld [tilespmem:s8+$0xD800]  }
0x1f6: {  	s5 =	sadd.s32 $0xE410, s31;
	v2 =	vld [tilespmem:s8+$0x9C00];
	v6 =	vadd.f32 v10, v6  }
0x1f7: {  	s31 =	sadd.s32 $0xE810, s31;
	v4 =	vld [tilespmem:s8+$0xDC00];
	[tilespmem:s5+$0x0] =	vst v8;
	v8 =	vadd.f32 v11, v7  }
0x1f8: {  	s30 =	sadd.s32 $0x20, s30;
	s9 =	simm.s32 $0x2;
	[tilespmem:s31+$0x0] =	vst v63;
	v7 =	vadd.f32 v62, v6;
	v6 =	vld [tilespmem:s8+$0xA000]  }
.LBB2_12:
0x1f9: {  	s10 =	sadd.s32 s30, s22;
	v5 =	vadd.f32 v5, v8;
	v8 =	vld [tilespmem:s8+$0xE000];
	s6 =	sadd.s32 $0x20, s6  }
0x1fa: {  	s9 =	sadd.s32 $0x2, s9;
	s7 =	sadd.s32 $0x20, s7;
	s11 =	sadd.s32 $0x10, s10;
	v9 =	vld [tilespmem:s6+$0x0];
	v3 =	vadd.f32 v3, v7  }
0x1fb: {  	s8 =	sand.u32 $0xFFFFFFF0, s10;
	p2 =	slt.s32 s9, s21;
	v7 =	vld [tilespmem:s7+$0x0];
	s10 =	sand.u32 $0xFFFFFFF0, s11;
	v2 =	vadd.f32 v2, v5  }
0x1fc: {  	v5 =	vld [tilespmem:s10+$0x6800];
	v3 =	vadd.f32 v4, v3  }
0x1fd: {  	v4 =	vld [tilespmem:s10+$0xA800];
	v2 =	vadd.f32 v6, v2  }
0x1fe: {  	v6 =	vld [tilespmem:s10+$0x6C00];
	v3 =	vadd.f32 v8, v3  }
0x1ff: {  	v8 =	vld [tilespmem:s10+$0xAC00];
	[tilespmem:s5+$0xFFFFFFF0] =	vst v2  }
0x200: {  	v2 =	vld [tilespmem:s10+$0x7000];
	[tilespmem:s31+$0xFFFFFFF0] =	vst v3  }
0x201: {  	v3 =	vadd.f32 v5, v9;
	v5 =	vld [tilespmem:s10+$0xB000]  }
0x202: {  	v4 =	vadd.f32 v4, v7;
	v7 =	vld [tilespmem:s10+$0x7400]  }
0x203: {  	v3 =	vadd.f32 v6, v3;
	v6 =	vld [tilespmem:s10+$0xB400]  }
0x204: {  	v4 =	vadd.f32 v8, v4;
	v8 =	vld [tilespmem:s10+$0x7800]  }
0x205: {  	v2 =	vadd.f32 v2, v3;
	v3 =	vld [tilespmem:s10+$0xB800]  }
0x206: {  	v4 =	vadd.f32 v5, v4;
	v5 =	vld [tilespmem:s10+$0x7C00]  }
0x207: {  	v2 =	vadd.f32 v7, v2;
	v7 =	vld [tilespmem:s10+$0xBC00]  }
0x208: {  	v4 =	vadd.f32 v6, v4;
	v6 =	vld [tilespmem:s10+$0x8000]  }
0x209: {  	v2 =	vadd.f32 v8, v2;
	v8 =	vld [tilespmem:s10+$0xC000]  }
0x20a: {  	v3 =	vadd.f32 v3, v4;
	v4 =	vld [tilespmem:s10+$0x8400]  }
0x20b: {  	v2 =	vadd.f32 v5, v2;
	v5 =	vld [tilespmem:s10+$0xC400]  }
0x20c: {  	v3 =	vadd.f32 v7, v3;
	v7 =	vld [tilespmem:s10+$0x8800]  }
0x20d: {  	v2 =	vadd.f32 v6, v2;
	v6 =	vld [tilespmem:s10+$0xC800]  }
0x20e: {  	v3 =	vadd.f32 v8, v3;
	v8 =	vld [tilespmem:s10+$0x8C00]  }
0x20f: {  	v2 =	vadd.f32 v4, v2;
	v4 =	vld [tilespmem:s10+$0xCC00]  }
0x210: {  	v3 =	vadd.f32 v5, v3;
	v5 =	vld [tilespmem:s10+$0x9000]  }
0x211: {  	v2 =	vadd.f32 v7, v2;
	v7 =	vld [tilespmem:s10+$0xD000]  }
0x212: {  	v3 =	vadd.f32 v6, v3;
	v6 =	vld [tilespmem:s10+$0x9400]  }
0x213: {  	v2 =	vadd.f32 v8, v2;
	v8 =	vld [tilespmem:s10+$0xD400]  }
0x214: {  	v3 =	vadd.f32 v4, v3;
	v4 =	vld [tilespmem:s10+$0x9800]  }
0x215: {  	v2 =	vadd.f32 v5, v2;
	v5 =	vld [tilespmem:s10+$0xD800]  }
0x216: {  	v3 =	vadd.f32 v7, v3;
	v7 =	vld [tilespmem:s10+$0x9C00]  }
0x217: {  	v2 =	vadd.f32 v6, v2;
	v6 =	vld [tilespmem:s10+$0xDC00]  }
0x218: {  	v3 =	vadd.f32 v8, v3;
	v8 =	vld [tilespmem:s10+$0xA000]  }
0x219: {  	v2 =	vadd.f32 v4, v2;
	v4 =	vld [tilespmem:s10+$0xE000]  }
0x21a: {  	v9 =	vld [tilespmem:s8+$0x6800];
	v3 =	vadd.f32 v5, v3  }
0x21b: {  	v5 =	vld [tilespmem:s8+$0xA800];
	v2 =	vadd.f32 v7, v2  }
0x21c: {  	v7 =	vld [tilespmem:s6+$0xFFFFFFF0];
	v3 =	vadd.f32 v6, v3  }
0x21d: {  	v6 =	vld [tilespmem:s7+$0xFFFFFFF0];
	v2 =	vadd.f32 v8, v2  }
0x21e: {  	s5 =	sadd.s32 $0x20, s5;
	v8 =	vld [tilespmem:s8+$0x6C00];
	v3 =	vadd.f32 v4, v3  }
0x21f: {  	s31 =	sadd.s32 $0x20, s31;
	v4 =	vld [tilespmem:s8+$0xAC00];
	[tilespmem:s5+$0x0] =	vst v2  }
0x220: {  	v2 =	vld [tilespmem:s8+$0x7000];
	[tilespmem:s31+$0x0] =	vst v3  }
0x221: {  	v3 =	vadd.f32 v9, v7;
	v7 =	vld [tilespmem:s8+$0xB000]  }
0x222: {  	v5 =	vadd.f32 v5, v6;
	v6 =	vld [tilespmem:s8+$0x7400]  }
0x223: {  	v3 =	vadd.f32 v8, v3;
	v8 =	vld [tilespmem:s8+$0xB400]  }
0x224: {  	v4 =	vadd.f32 v4, v5;
	v5 =	vld [tilespmem:s8+$0x7800]  }
0x225: {  	v2 =	vadd.f32 v2, v3;
	v3 =	vld [tilespmem:s8+$0xB800]  }
0x226: {  	v4 =	vadd.f32 v7, v4;
	v7 =	vld [tilespmem:s8+$0x7C00]  }
0x227: {  	v2 =	vadd.f32 v6, v2;
	v6 =	vld [tilespmem:s8+$0xBC00]  }
0x228: {  	v4 =	vadd.f32 v8, v4;
	v8 =	vld [tilespmem:s8+$0x8000]  }
0x229: {  	v2 =	vadd.f32 v5, v2;
	v5 =	vld [tilespmem:s8+$0xC000]  }
0x22a: {  	v3 =	vadd.f32 v3, v4;
	v4 =	vld [tilespmem:s8+$0x8400]  }
0x22b: {  	v2 =	vadd.f32 v7, v2;
	v7 =	vld [tilespmem:s8+$0xC400]  }
0x22c: {  	v3 =	vadd.f32 v6, v3;
	v6 =	vld [tilespmem:s8+$0x8800]  }
0x22d: {  	v2 =	vadd.f32 v8, v2;
	v8 =	vld [tilespmem:s8+$0xC800]  }
0x22e: {  	v3 =	vadd.f32 v5, v3;
	v5 =	vld [tilespmem:s8+$0x8C00]  }
0x22f: {  	v2 =	vadd.f32 v4, v2;
	v4 =	vld [tilespmem:s8+$0xCC00]  }
0x230: {  	v3 =	vadd.f32 v7, v3;
	v7 =	vld [tilespmem:s8+$0x9000]  }
0x231: {  	v2 =	vadd.f32 v6, v2;
	v6 =	vld [tilespmem:s8+$0xD000]  }
0x232: {  	v3 =	vadd.f32 v8, v3;
	v8 =	vld [tilespmem:s8+$0x9400]  }
0x233: {  	v2 =	vadd.f32 v5, v2;
	v9 =	vld [tilespmem:s8+$0xD400]  }
.Ltmp11:
0x234: {  	v4 =	vadd.f32 v4, v3;
	v5 =	vld [tilespmem:s8+$0x9800];
	(pc) =	sbr.rel @p2 .LBB2_12-.Ltmp11, $4  }
0x235: {  	v7 =	vadd.f32 v7, v2;
	v3 =	vld [tilespmem:s8+$0xD800]  }
0x236: {  	v6 =	vadd.f32 v6, v4;
	v2 =	vld [tilespmem:s8+$0x9C00]  }
0x237: {  	v8 =	vadd.f32 v8, v7;
	v4 =	vld [tilespmem:s8+$0xDC00]  }
0x238: {  	s30 =	sadd.s32 $0x20, s30;
	v7 =	vadd.f32 v9, v6;
	v6 =	vld [tilespmem:s8+$0xA000]  }
.LBB2_13:
0x239: {  	v5 =	vadd.f32 v5, v8;
	v63 =	vld [tilespmem:s8+$0xE000]  }
0x23a: {  	v3 =	vadd.f32 v3, v7  }
0x23b: {  	v2 =	vadd.f32 v2, v5  }
0x23c: {  	v3 =	vadd.f32 v4, v3  }
0x23d: {  	v2 =	vadd.f32 v6, v2  }
0x23e: {  	v3 =	vadd.f32 v63, v3  }
0x23f: {  	[tilespmem:s5+$0xFFFFFFF0] =	vst v2  }
0x240: {  	[tilespmem:s31+$0xFFFFFFF0] =	vst v3  }
.LBB2_14:
0x241: {  	p2 =	sgt.s32 s21, s3  }
.Ltmp12:
0x242: {  	_ = 	snop;
	(pc) =	sbr.rel @p2 .LBB2_17-.Ltmp12, $1  }
0x243: {  	_ =	sdelay $0x3  }
0x244: {  	s2 =	sadd.s32 s23, s2;
	s5 =	sshll.u32 s20, $0x6;
	s6 =	sshll.u32 s24, $0x6  }
0x245: {  	s2 =	ssub.s32 s2, s24;
	s5 =	ssub.s32 s5, s6  }
0x246: {  	s31 =	sshll.u32 s2, $0x4;
	s8 =	sshra.s32 s5, $0x2  }
0x247: {  	s1 =	ssub.s32 s2, s1;
	s2 =	sadd.s32 $0x10, s31;
	s5 =	sadd.s32 $0x6410, s8  }
0x248: {  	s6 =	sadd.s32 $0xA410, s8;
	s7 =	sadd.s32 $0xE410, s8;
	s8 =	sadd.s32 $0xE810, s8  }
.LBB2_16:
0x249: {  	v2 =	vld [tilespmem:s5+$0x0]  }
0x24a: {  	v3 =	vld [tilespmem:s6+$0x0];
	s9 =	sand.u32 $0xFFFFFFF0, s2  }
0x24b: {  	v4 =	vld [tilespmem:s9+$0x6800]  }
0x24c: {  	v5 =	vld [tilespmem:s9+$0xA800]  }
0x24d: {  	v6 =	vld [tilespmem:s9+$0x6C00]  }
0x24e: {  	v7 =	vld [tilespmem:s9+$0xAC00]  }
0x24f: {  	v8 =	vld [tilespmem:s9+$0x7000]  }
0x250: {  	v39 =	vld [tilespmem:s9+$0xB000];
	v2 =	vadd.f32 v4, v2  }
0x251: {  	v40 =	vld [tilespmem:s9+$0x7400];
	v3 =	vadd.f32 v5, v3  }
0x252: {  	v41 =	vld [tilespmem:s9+$0xB400];
	v2 =	vadd.f32 v6, v2  }
0x253: {  	v42 =	vld [tilespmem:s9+$0x7800];
	v3 =	vadd.f32 v7, v3  }
0x254: {  	v43 =	vld [tilespmem:s9+$0xB800];
	v2 =	vadd.f32 v8, v2  }
0x255: {  	v44 =	vld [tilespmem:s9+$0x7C00];
	v3 =	vadd.f32 v39, v3  }
0x256: {  	v45 =	vld [tilespmem:s9+$0xBC00];
	v2 =	vadd.f32 v40, v2  }
0x257: {  	v46 =	vld [tilespmem:s9+$0x8000];
	v3 =	vadd.f32 v41, v3  }
0x258: {  	v47 =	vld [tilespmem:s9+$0xC000];
	v2 =	vadd.f32 v42, v2  }
0x259: {  	v48 =	vld [tilespmem:s9+$0x8400];
	v3 =	vadd.f32 v43, v3  }
0x25a: {  	v49 =	vld [tilespmem:s9+$0xC400];
	v2 =	vadd.f32 v44, v2  }
0x25b: {  	v50 =	vld [tilespmem:s9+$0x8800];
	v3 =	vadd.f32 v45, v3  }
0x25c: {  	v51 =	vld [tilespmem:s9+$0xC800];
	v2 =	vadd.f32 v46, v2  }
0x25d: {  	v52 =	vld [tilespmem:s9+$0x8C00];
	v3 =	vadd.f32 v47, v3  }
0x25e: {  	v53 =	vld [tilespmem:s9+$0xCC00];
	v2 =	vadd.f32 v48, v2  }
0x25f: {  	v54 =	vld [tilespmem:s9+$0x9000];
	v3 =	vadd.f32 v49, v3  }
0x260: {  	v55 =	vld [tilespmem:s9+$0xD000];
	v2 =	vadd.f32 v50, v2  }
0x261: {  	v56 =	vld [tilespmem:s9+$0x9400];
	v3 =	vadd.f32 v51, v3  }
0x262: {  	v57 =	vld [tilespmem:s9+$0xD400];
	v2 =	vadd.f32 v52, v2  }
0x263: {  	v58 =	vld [tilespmem:s9+$0x9800];
	v3 =	vadd.f32 v53, v3  }
0x264: {  	v59 =	vld [tilespmem:s9+$0xD800];
	v2 =	vadd.f32 v54, v2  }
0x265: {  	v60 =	vld [tilespmem:s9+$0x9C00];
	v3 =	vadd.f32 v55, v3  }
0x266: {  	v61 =	vld [tilespmem:s9+$0xDC00];
	v2 =	vadd.f32 v56, v2  }
0x267: {  	v62 =	vld [tilespmem:s9+$0xA000];
	v3 =	vadd.f32 v57, v3  }
0x268: {  	v63 =	vld [tilespmem:s9+$0xE000];
	v2 =	vadd.f32 v58, v2  }
0x269: {  	s1 =	sadd.s32 $0x1, s1;
	v3 =	vadd.f32 v59, v3  }
0x26a: {  	p2 =	slt.s32 s1, s3;
	v2 =	vadd.f32 v60, v2  }
.Ltmp13:
0x26b: {  	v3 =	vadd.f32 v61, v3;
	(pc) =	sbr.rel @p2 .LBB2_16-.Ltmp13, $4  }
0x26c: {  	v2 =	vadd.f32 v62, v2  }
0x26d: {  	v3 =	vadd.f32 v63, v3  }
0x26e: {  	s2 =	sadd.s32 $0x10, s2;
	s5 =	sadd.s32 $0x10, s5;
	[tilespmem:s7+$0x0] =	vst v2  }
0x26f: {  	s6 =	sadd.s32 $0x10, s6;
	s7 =	sadd.s32 $0x10, s7;
	[tilespmem:s8+$0x0] =	vst v3;
	s8 =	sadd.s32 $0x10, s8  }
.Ltmp14:
0x270: {  	_ = 	snop;
	(pc) =	sbr.rel .LBB2_17-.Ltmp14, $1  }
0x271: {  	_ =	sdelay $0x3  }
.LBB2_18:
0x272: {  	_ =	sfence.sel $0x180000  }
0x273: {  	[bflag:$0x0] =	sbarrier.arrive $0xFFFF  }
0x274: {  	_ =	strace $0x90000047  }
0x275: {  	s0 =	stileid.u32;
	[bflag:$0x2] =	sbarrier.arrive $0xFFFF  }
0x276: {  	p0 =	sne.s32 s0, $0x0;
	s0 =	rddreg [dreg:$0x6]  }
0x277: {  	s0 =	sadd.s32 @!p0 $0x100000, s0  }
0x278: {  	[sflag:s0] =	ssyncadd.tile.s32 @!p0 $0x1;
	_ =	shalt  }
.Lfunc_end2:
_tile_overlayer_lowered:
.L_overlay_start_2:
0x279: {  	(tag) =	ssettag $0x2  }
0x27a: {  	s0 =	rddreg [dreg:$0x0];
	s2 =	stileid.u32  }
0x27b: {  	s1 =	rddreg [dreg:$0x1];
	p0 =	sne.s32 s2, $0x0  }
0x27c: {  	s3 =	rddreg [dreg:$0x2];
	[bflag:$0x3] =	sbarrier.arrive $0xFFFF;
	s2 =	simm.s32 @!p0 $0x1C02  }
0x27d: {  	[timem:s3], [sflag:s2] =	dma.local @!p0 [hbm:s0], s1  }
0x27e: {  	s0 =	simm.s32 @!p0 $0x2  }
0x27f: {  	_ =	swait.ge @!p0 [sflag:s0], s1  }
0x280: {  	s1 =	ssub.s32 @!p0 $0x0, s1;
	[sflag:s0] =	ssyncset.done @!p0 $0x0  }
0x281: {  	[sflag:s0] =	ssyncadd.s32 @!p0 s1  }
0x282: {  	[bflag:$0x3] =	sbarrier.arrive $0xFFFF  }
0x283: {  	_ =	shalt  }

</sc_bundles>
